<compile_context>
chip_gen: v7x
topology: tpu7x:2x2x1
jax: 0.10.2.dev20260603
libtpu: 0.0.44.dev20260713+nightly
codegen_flags: <defaults>
</compile_context>

<pallas_src>
import functools

import jax
import jax.numpy as jnp
from jax import lax
from jax.experimental import pallas as pl
from jax.experimental.pallas import tpu as pltpu
from jax.experimental.pallas import tpu_sc as plsc

_NDIM = 4096
_NB = 16
_HID = 5
_WIN = 10
_LOFF = 5
_NC = 2
_NW = 16 * _NC
_JPW = _NB * _NDIM // _NW
_HALVES = _NDIM // _JPW
_LANES = 16

_mesh = plsc.VectorSubcoreMesh(core_axis_name="c", subcore_axis_name="s",
                               num_cores=_NC)


@functools.partial(
    pl.kernel,
    out_type=jax.ShapeDtypeStruct((_NB, _NDIM * _HID), jnp.float32),
    mesh=_mesh,
    compiler_params=pltpu.CompilerParams(needs_layout_passes=False),
    scratch_types=[
        pltpu.VMEM((_NDIM,), jnp.float32),
        pltpu.VMEM((_JPW * _HID,), jnp.float32),
        pltpu.VMEM((2 * _HID, _LANES), jnp.float32),
        pltpu.SemaphoreType.DMA,
        pltpu.SemaphoreType.DMA,
    ],
)
def _sc_window_z(x_hbm, wb_hbm, z_hbm, xbuf, zbuf, wb, sem_x, sem_wb):
    wid = lax.axis_index("s") * _NC + lax.axis_index("c")
    b = wid // _HALVES
    j0 = (wid % _HALVES) * _JPW
    cx = pltpu.async_copy(x_hbm.at[b], xbuf, sem_x)
    cwb = pltpu.async_copy(wb_hbm, wb, sem_wb)
    cx.wait()
    cwb.wait()
    iota = lax.iota(jnp.int32, _LANES)
    wvecs = [wb[h] for h in range(_HID)]
    bvecs = [wb[_HID + h] for h in range(_HID)]

    def chunk(i):
        base = j0 + i * _LANES
        acc = plsc.load_gather(xbuf, [(iota + (base - _LOFF)) & (_NDIM - 1)])
        for d in range(1, _WIN):
            idx = (iota + (base + d - _LOFF)) & (_NDIM - 1)
            acc = acc + plsc.load_gather(xbuf, [idx])
        zoff = i * _LANES * _HID
        for h in range(_HID):
            zv = jnp.maximum(acc * wvecs[h] + bvecs[h], 0.0)
            plsc.store_scatter(zbuf, [iota * _HID + (zoff + h)], zv)

    plsc.parallel_loop(0, _JPW // _LANES, 1, unroll=4)(chunk)
    pltpu.sync_copy(zbuf, z_hbm.at[b, pl.ds(j0 * _HID, _JPW * _HID)])


def _mm_body(z_ref, w_ref, y_ref):
    y_ref[...] = lax.dot_general(
        z_ref[...], w_ref[...],
        (((1,), (1,)), ((), ())),
        preferred_element_type=jnp.float32,
    )


_OT = 128


def _final_matmul(z, w_final):
    k = _NDIM * _HID
    return pl.pallas_call(
        _mm_body,
        grid=(_NDIM // _OT,),
        in_specs=[
            pl.BlockSpec((_NB, k), lambda o: (0, 0)),
            pl.BlockSpec((_OT, k), lambda o: (o, 0)),
        ],
        out_specs=pl.BlockSpec((_NB, _OT), lambda o: (0, o)),
        out_shape=jax.ShapeDtypeStruct((_NB, _NDIM), jnp.float32),
    )(z, w_final)


def kernel(x, W_rel, b_rel, W_root, W_final, edge_index_b):
    del W_root, edge_index_b
    wb = jnp.tile(
        jnp.concatenate(
            [W_rel.reshape(_HID, 1), b_rel.reshape(_HID, 1)], axis=0
        ).astype(jnp.float32),
        (1, _LANES),
    )
    z = _sc_window_z(x, wb)
    return _final_matmul(z, W_final)

# --- scband reference (transcript-rebuilt; emitter-appended) ---
"""Pipeline reference for scband-nnmodel-15951508538104 (READ-ONLY COPY).

The authoritative reference and input builder live on the scoring server;
editing this copy changes nothing except your own understanding.
"""

import jax, jax.numpy as jnp
import numpy as np

NDIM = 4096
NBATCH = 16
HID = 5
STRIDE = 5


def _build_edges():
    # Replicates the Python loop in __init__: for each hidden node j (hidden_node == ndim),
    # connect source grid points (j - STRIDE .. j + STRIDE - 1) mod ndim to dst node j.
    j = np.arange(NDIM)
    offs = np.arange(-STRIDE, STRIDE)
    rows = (j[:, None] + offs[None, :]) % NDIM  # source indices
    cols = np.repeat(j, 2 * STRIDE)             # dst indices
    return np.stack([rows.reshape(-1), cols], axis=0).astype(np.int64)


def _batch_index(ei, nbatch, node_in, node_out):
    row, col = ei[0], ei[1]
    rows = np.concatenate([row + b * node_in for b in range(nbatch)], axis=0)
    cols = np.concatenate([col + b * node_out for b in range(nbatch)], axis=0)
    return np.stack([rows, cols], axis=0)


def setup_inputs(seed: int = 0) -> dict:
    key = jax.random.key(seed)
    k1, k2, k3, k4, k5 = jax.random.split(key, 5)
    x = jax.random.normal(k1, (NBATCH, NDIM), dtype=jnp.float32)
    # GraphConv((1, HID), HID): lin_rel = Linear(1 -> HID, bias=True), lin_root = Linear(HID -> HID, bias=False)
    W_rel = jax.random.normal(k2, (HID, 1), dtype=jnp.float32) * 0.1
    b_rel = jax.random.normal(k3, (HID,), dtype=jnp.float32) * 0.1
    W_root = jax.random.normal(k4, (HID, HID), dtype=jnp.float32) * 0.1
    # final = Linear(ndim*HID -> ndim, bias=False); weight stored [out, in]
    W_final = jax.random.normal(k5, (NDIM, NDIM * HID), dtype=jnp.float32) * 0.01
    ei = _build_edges()
    ei_b = jnp.asarray(_batch_index(ei, NBATCH, NDIM, NDIM), dtype=jnp.int64)
    return {"x": x, "W_rel": W_rel, "b_rel": b_rel, "W_root": W_root, "W_final": W_final, "edge_index_b": ei_b}


def reference(x, W_rel, b_rel, W_root, W_final, edge_index_b):
    nbatch = x.shape[0]
    # x.unsqueeze(-1) then concat over batch -> disjoint-union node features [B*ndim, 1]
    x_b = x.reshape(nbatch * NDIM, 1)
    z_b = jnp.zeros((nbatch * NDIM, HID), dtype=jnp.float32)
    row = edge_index_b[0]
    col = edge_index_b[1]
    # PyG GraphConv bipartite: out = lin_rel(aggr_add(x_src[row] -> col)) + lin_root(x_dst)
    msgs = jnp.take(x_b, row, axis=0)                                   # gather  [E_b, 1]
    aggr = jax.ops.segment_sum(msgs, col, num_segments=nbatch * NDIM)   # scatter-add [B*ndim, 1]
    out = aggr @ W_rel.T + b_rel + z_b @ W_root.T                        # [B*ndim, HID]
    z = jax.nn.relu(out)
    z = z.reshape(nbatch, NDIM * HID)
    y = z @ W_final.T                                                    # [B, ndim]
    return y

if __name__ == "__main__":
    import jax
    _d = setup_inputs()
    print(jax.jit(kernel)(*tuple(_d.values())))

</pallas_src>

<mosaic_0001>
#map = affine_map<(d0, d1) -> (0, 0)>
module attributes {stable_mosaic.version = 14 : i64} {
  func.func @_sc_window_z(%arg0: i32, %arg1: i32, %arg2: memref<16x4096xf32, #tpu.memory_space<hbm>>, %arg3: memref<10x16xf32, #tpu.memory_space<hbm>>, %arg4: memref<16x20480xf32, #tpu.memory_space<hbm>>, %arg5: memref<4096xf32, #tpu.memory_space<vmem>>, %arg6: memref<10240xf32, #tpu.memory_space<vmem>>, %arg7: memref<10x16xf32, #tpu.memory_space<vmem>>, %arg8: memref<!tpu.dma_semaphore, #tpu.memory_space<semaphore_mem>>, %arg9: memref<!tpu.dma_semaphore, #tpu.memory_space<semaphore_mem>>) attributes {dimension_semantics = [#tpu.dimension_semantics<core_parallel>, #tpu.dimension_semantics<subcore_parallel>], iteration_bounds = array<i64: 2, 16>, scalar_prefetch = 0 : i64, scratch_operands = 5 : i64, tpu.core_type = #tpu.core_type<sc_vector_subcore>, window_params = [{transform_indices = #map}, {transform_indices = #map}, {transform_indices = #map}]} {
    %mul3A = arith.constant 2 : i32
    %mul3A_0 = arith.muli %arg1, %mul3A : i32
    %add3A = arith.addi %mul3A_0, %arg0 : i32
    %jit3A = arith.constant 2 : i32
    %div3A = arith.divsi %add3A, %jit3A : i32
    %sign3A = arith.constant 0 : i32
    %sign3A_1 = arith.cmpi sgt, %add3A, %sign3A : i32
    %sign3A_2 = arith.extui %sign3A_1 : i1 to i32
    %sign3A_3 = arith.constant 0 : i32
    %sign3A_4 = arith.cmpi slt, %add3A, %sign3A_3 : i32
    %sign3A_5 = arith.extui %sign3A_4 : i1 to i32
    %sign3A_6 = arith.subi %sign3A_2, %sign3A_5 : i32
    %sign3A_7 = arith.constant 0 : i32
    %sign3A_8 = arith.cmpi sgt, %jit3A, %sign3A_7 : i32
    %sign3A_9 = arith.extui %sign3A_8 : i1 to i32
    %sign3A_10 = arith.constant 0 : i32
    %sign3A_11 = arith.cmpi slt, %jit3A, %sign3A_10 : i32
    %sign3A_12 = arith.extui %sign3A_11 : i1 to i32
    %sign3A_13 = arith.subi %sign3A_9, %sign3A_12 : i32
    %ne3A = arith.cmpi ne, %sign3A_6, %sign3A_13 : i32
    %rem3A = arith.remsi %add3A, %jit3A : i32
    %ne3A_14 = arith.constant 0 : i32
    %ne3A_15 = arith.cmpi ne, %rem3A, %ne3A_14 : i32
    %and3A = arith.andi %ne3A, %ne3A_15 : i1
    %sub3A = arith.constant 1 : i32
    %sub3A_16 = arith.subi %div3A, %sub3A : i32
    %select_n3A = arith.select %and3A, %sub3A_16, %div3A : i32
    %jit3A_17 = arith.constant 2 : i32
    %eq3A = arith.constant 0 : i32
    %eq3A_18 = arith.cmpi eq, %jit3A_17, %eq3A : i32
    %jit3A_19 = arith.constant 1 : i32
    %select_n3A_20 = arith.select %eq3A_18, %jit3A_19, %jit3A_17 : i32
    %rem3A_21 = arith.remsi %add3A, %select_n3A_20 : i32
    %ne3A_22 = arith.constant 0 : i32
    %ne3A_23 = arith.cmpi ne, %rem3A_21, %ne3A_22 : i32
    %lt3A = arith.constant 0 : i32
    %lt3A_24 = arith.cmpi slt, %rem3A_21, %lt3A : i32
    %lt3A_25 = arith.constant 0 : i32
    %lt3A_26 = arith.cmpi slt, %select_n3A_20, %lt3A_25 : i32
    %ne3A_27 = arith.xori %lt3A_24, %lt3A_26 : i1
    %and3A_28 = arith.andi %ne3A_27, %ne3A_23 : i1
    %add3A_29 = arith.addi %rem3A_21, %select_n3A_20 : i32
    %select_n3A_30 = arith.select %and3A_28, %add3A_29, %rem3A_21 : i32
    %mul3A_31 = arith.constant 2048 : i32
    %mul3A_32 = arith.muli %select_n3A_30, %mul3A_31 : i32
    %dma_start3A = arith.constant 0 : i32
    %dma_start3A_33 = tpu.memref_slice %arg2[%select_n3A, %dma_start3A] : memref<16x4096xf32, #tpu.memory_space<hbm>> -> memref<1x4096xf32, #tpu.memory_space<hbm>>
    %dma_start3A_34 = tpu.memref_squeeze %dma_start3A_33 : memref<1x4096xf32, #tpu.memory_space<hbm>> -> memref<4096xf32, #tpu.memory_space<hbm>>
    %dma_start3A_35 = arith.constant 0 : i32
    %dma_start3A_36 = tpu.memref_slice %arg2[%select_n3A, %dma_start3A_35] : memref<16x4096xf32, #tpu.memory_space<hbm>> -> memref<1x4096xf32, #tpu.memory_space<hbm>>
    %dma_start3A_37 = tpu.memref_squeeze %dma_start3A_36 : memref<1x4096xf32, #tpu.memory_space<hbm>> -> memref<4096xf32, #tpu.memory_space<hbm>>
    tpu.enqueue_dma source(%dma_start3A_37 : memref<4096xf32, #tpu.memory_space<hbm>>) target(%arg5 : memref<4096xf32, #tpu.memory_space<vmem>>) target_semaphore(%arg8 : memref<!tpu.dma_semaphore, #tpu.memory_space<semaphore_mem>>)
    tpu.enqueue_dma source(%arg3 : memref<10x16xf32, #tpu.memory_space<hbm>>) target(%arg7 : memref<10x16xf32, #tpu.memory_space<vmem>>) target_semaphore(%arg9 : memref<!tpu.dma_semaphore, #tpu.memory_space<semaphore_mem>>)
    %dma_wait3A = arith.constant 0 : i32
    %dma_wait3A_38 = tpu.memref_slice %arg2[%select_n3A, %dma_wait3A] : memref<16x4096xf32, #tpu.memory_space<hbm>> -> memref<1x4096xf32, #tpu.memory_space<hbm>>
    %dma_wait3A_39 = tpu.memref_squeeze %dma_wait3A_38 : memref<1x4096xf32, #tpu.memory_space<hbm>> -> memref<4096xf32, #tpu.memory_space<hbm>>
    %dma_wait3A_40 = arith.constant 0 : i32
    %dma_wait3A_41 = tpu.memref_slice %arg2[%select_n3A, %dma_wait3A_40] : memref<16x4096xf32, #tpu.memory_space<hbm>> -> memref<1x4096xf32, #tpu.memory_space<hbm>>
    %dma_wait3A_42 = tpu.memref_squeeze %dma_wait3A_41 : memref<1x4096xf32, #tpu.memory_space<hbm>> -> memref<4096xf32, #tpu.memory_space<hbm>>
    tpu.wait_dma2 semaphore(%arg8 : memref<!tpu.dma_semaphore, #tpu.memory_space<semaphore_mem>>) src(%dma_wait3A_42 : memref<4096xf32, #tpu.memory_space<hbm>>) dst(%arg5 : memref<4096xf32, #tpu.memory_space<vmem>>)
    tpu.wait_dma2 semaphore(%arg9 : memref<!tpu.dma_semaphore, #tpu.memory_space<semaphore_mem>>) src(%arg3 : memref<10x16xf32, #tpu.memory_space<hbm>>) dst(%arg7 : memref<10x16xf32, #tpu.memory_space<vmem>>)
    %iota3A = tpu.iota {dimensions = array<i32: 0>} : vector<16xi32>
    %get3A = arith.constant 0 : i32
    %get3A_43 = arith.index_cast %get3A : i32 to index
    %get3A_44 = arith.constant 0 : index
    %get3A_45 = tpu.vector_load %arg7[%get3A_43, %get3A_44] {strides = array<i32>} : memref<10x16xf32, #tpu.memory_space<vmem>>, vector<16xf32>,
    %get3A_46 = arith.constant 1 : i32
    %get3A_47 = arith.index_cast %get3A_46 : i32 to index
    %get3A_48 = arith.constant 0 : index
    %get3A_49 = tpu.vector_load %arg7[%get3A_47, %get3A_48] {strides = array<i32>} : memref<10x16xf32, #tpu.memory_space<vmem>>, vector<16xf32>,
    %get3A_50 = arith.constant 2 : i32
    %get3A_51 = arith.index_cast %get3A_50 : i32 to index
    %get3A_52 = arith.constant 0 : index
    %get3A_53 = tpu.vector_load %arg7[%get3A_51, %get3A_52] {strides = array<i32>} : memref<10x16xf32, #tpu.memory_space<vmem>>, vector<16xf32>,
    %get3A_54 = arith.constant 3 : i32
    %get3A_55 = arith.index_cast %get3A_54 : i32 to index
    %get3A_56 = arith.constant 0 : index
    %get3A_57 = tpu.vector_load %arg7[%get3A_55, %get3A_56] {strides = array<i32>} : memref<10x16xf32, #tpu.memory_space<vmem>>, vector<16xf32>,
    %get3A_58 = arith.constant 4 : i32
    %get3A_59 = arith.index_cast %get3A_58 : i32 to index
    %get3A_60 = arith.constant 0 : index
    %get3A_61 = tpu.vector_load %arg7[%get3A_59, %get3A_60] {strides = array<i32>} : memref<10x16xf32, #tpu.memory_space<vmem>>, vector<16xf32>,
    %get3A_62 = arith.constant 5 : i32
    %get3A_63 = arith.index_cast %get3A_62 : i32 to index
    %get3A_64 = arith.constant 0 : index
    %get3A_65 = tpu.vector_load %arg7[%get3A_63, %get3A_64] {strides = array<i32>} : memref<10x16xf32, #tpu.memory_space<vmem>>, vector<16xf32>,
    %get3A_66 = arith.constant 6 : i32
    %get3A_67 = arith.index_cast %get3A_66 : i32 to index
    %get3A_68 = arith.constant 0 : index
    %get3A_69 = tpu.vector_load %arg7[%get3A_67, %get3A_68] {strides = array<i32>} : memref<10x16xf32, #tpu.memory_space<vmem>>, vector<16xf32>,
    %get3A_70 = arith.constant 7 : i32
    %get3A_71 = arith.index_cast %get3A_70 : i32 to index
    %get3A_72 = arith.constant 0 : index
    %get3A_73 = tpu.vector_load %arg7[%get3A_71, %get3A_72] {strides = array<i32>} : memref<10x16xf32, #tpu.memory_space<vmem>>, vector<16xf32>,
    %get3A_74 = arith.constant 8 : i32
    %get3A_75 = arith.index_cast %get3A_74 : i32 to index
    %get3A_76 = arith.constant 0 : index
    %get3A_77 = tpu.vector_load %arg7[%get3A_75, %get3A_76] {strides = array<i32>} : memref<10x16xf32, #tpu.memory_space<vmem>>, vector<16xf32>,
    %get3A_78 = arith.constant 9 : i32
    %get3A_79 = arith.index_cast %get3A_78 : i32 to index
    %get3A_80 = arith.constant 0 : index
    %get3A_81 = tpu.vector_load %arg7[%get3A_79, %get3A_80] {strides = array<i32>} : memref<10x16xf32, #tpu.memory_space<vmem>>, vector<16xf32>,
    %parallel_loop3A = arith.constant 0 : i32
    %parallel_loop3A_82 = arith.constant 128 : i32
    %parallel_loop3A_83 = arith.constant 1 : i32
    scf.for %parallel_loop3A_86 = %parallel_loop3A to %parallel_loop3A_82 step %parallel_loop3A_83  : i32 {
      %parallel_loop3A_87 = arith.constant 16 : i32
      %parallel_loop3A_88 = arith.muli %parallel_loop3A_86, %parallel_loop3A_87 : i32
      %parallel_loop3A_89 = arith.addi %mul3A_32, %parallel_loop3A_88 : i32
      %parallel_loop3A_90 = arith.constant 5 : i32
      %parallel_loop3A_91 = arith.subi %parallel_loop3A_89, %parallel_loop3A_90 : i32
      %parallel_loop3A_92 = vector.broadcast %parallel_loop3A_91 : i32 to vector<16xi32>
      %parallel_loop3A_93 = arith.addi %iota3A, %parallel_loop3A_92 : vector<16xi32>
      %parallel_loop3A_94 = arith.constant 4095 : i32
      %parallel_loop3A_95 = vector.broadcast %parallel_loop3A_94 : i32 to vector<16xi32>
      %parallel_loop3A_96 = arith.andi %parallel_loop3A_93, %parallel_loop3A_95 : vector<16xi32>
      %parallel_loop3A_97 = tpu.vector_load_idx %arg5[%parallel_loop3A_96] : memref<4096xf32, #tpu.memory_space<vmem>>[vector<16xi32>], vector<16xf32>,
      %parallel_loop3A_98 = arith.constant 1 : i32
      %parallel_loop3A_99 = arith.addi %parallel_loop3A_89, %parallel_loop3A_98 : i32
      %parallel_loop3A_100 = arith.constant 5 : i32
      %parallel_loop3A_101 = arith.subi %parallel_loop3A_99, %parallel_loop3A_100 : i32
      %parallel_loop3A_102 = vector.broadcast %parallel_loop3A_101 : i32 to vector<16xi32>
      %parallel_loop3A_103 = arith.addi %iota3A, %parallel_loop3A_102 : vector<16xi32>
      %parallel_loop3A_104 = arith.constant 4095 : i32
      %parallel_loop3A_105 = vector.broadcast %parallel_loop3A_104 : i32 to vector<16xi32>
      %parallel_loop3A_106 = arith.andi %parallel_loop3A_103, %parallel_loop3A_105 : vector<16xi32>
      %parallel_loop3A_107 = tpu.vector_load_idx %arg5[%parallel_loop3A_106] : memref<4096xf32, #tpu.memory_space<vmem>>[vector<16xi32>], vector<16xf32>,
      %parallel_loop3A_108 = arith.addf %parallel_loop3A_97, %parallel_loop3A_107 : vector<16xf32>
      %parallel_loop3A_109 = arith.constant 2 : i32
      %parallel_loop3A_110 = arith.addi %parallel_loop3A_89, %parallel_loop3A_109 : i32
      %parallel_loop3A_111 = arith.constant 5 : i32
      %parallel_loop3A_112 = arith.subi %parallel_loop3A_110, %parallel_loop3A_111 : i32
      %parallel_loop3A_113 = vector.broadcast %parallel_loop3A_112 : i32 to vector<16xi32>
      %parallel_loop3A_114 = arith.addi %iota3A, %parallel_loop3A_113 : vector<16xi32>
      %parallel_loop3A_115 = arith.constant 4095 : i32
      %parallel_loop3A_116 = vector.broadcast %parallel_loop3A_115 : i32 to vector<16xi32>
      %parallel_loop3A_117 = arith.andi %parallel_loop3A_114, %parallel_loop3A_116 : vector<16xi32>
      %parallel_loop3A_118 = tpu.vector_load_idx %arg5[%parallel_loop3A_117] : memref<4096xf32, #tpu.memory_space<vmem>>[vector<16xi32>], vector<16xf32>,
      %parallel_loop3A_119 = arith.addf %parallel_loop3A_108, %parallel_loop3A_118 : vector<16xf32>
      %parallel_loop3A_120 = arith.constant 3 : i32
      %parallel_loop3A_121 = arith.addi %parallel_loop3A_89, %parallel_loop3A_120 : i32
      %parallel_loop3A_122 = arith.constant 5 : i32
      %parallel_loop3A_123 = arith.subi %parallel_loop3A_121, %parallel_loop3A_122 : i32
      %parallel_loop3A_124 = vector.broadcast %parallel_loop3A_123 : i32 to vector<16xi32>
      %parallel_loop3A_125 = arith.addi %iota3A, %parallel_loop3A_124 : vector<16xi32>
      %parallel_loop3A_126 = arith.constant 4095 : i32
      %parallel_loop3A_127 = vector.broadcast %parallel_loop3A_126 : i32 to vector<16xi32>
      %parallel_loop3A_128 = arith.andi %parallel_loop3A_125, %parallel_loop3A_127 : vector<16xi32>
      %parallel_loop3A_129 = tpu.vector_load_idx %arg5[%parallel_loop3A_128] : memref<4096xf32, #tpu.memory_space<vmem>>[vector<16xi32>], vector<16xf32>,
      %parallel_loop3A_130 = arith.addf %parallel_loop3A_119, %parallel_loop3A_129 : vector<16xf32>
      %parallel_loop3A_131 = arith.constant 4 : i32
      %parallel_loop3A_132 = arith.addi %parallel_loop3A_89, %parallel_loop3A_131 : i32
      %parallel_loop3A_133 = arith.constant 5 : i32
      %parallel_loop3A_134 = arith.subi %parallel_loop3A_132, %parallel_loop3A_133 : i32
      %parallel_loop3A_135 = vector.broadcast %parallel_loop3A_134 : i32 to vector<16xi32>
      %parallel_loop3A_136 = arith.addi %iota3A, %parallel_loop3A_135 : vector<16xi32>
      %parallel_loop3A_137 = arith.constant 4095 : i32
      %parallel_loop3A_138 = vector.broadcast %parallel_loop3A_137 : i32 to vector<16xi32>
      %parallel_loop3A_139 = arith.andi %parallel_loop3A_136, %parallel_loop3A_138 : vector<16xi32>
      %parallel_loop3A_140 = tpu.vector_load_idx %arg5[%parallel_loop3A_139] : memref<4096xf32, #tpu.memory_space<vmem>>[vector<16xi32>], vector<16xf32>,
      %parallel_loop3A_141 = arith.addf %parallel_loop3A_130, %parallel_loop3A_140 : vector<16xf32>
      %parallel_loop3A_142 = arith.constant 5 : i32
      %parallel_loop3A_143 = arith.addi %parallel_loop3A_89, %parallel_loop3A_142 : i32
      %parallel_loop3A_144 = arith.constant 5 : i32
      %parallel_loop3A_145 = arith.subi %parallel_loop3A_143, %parallel_loop3A_144 : i32
      %parallel_loop3A_146 = vector.broadcast %parallel_loop3A_145 : i32 to vector<16xi32>
      %parallel_loop3A_147 = arith.addi %iota3A, %parallel_loop3A_146 : vector<16xi32>
      %parallel_loop3A_148 = arith.constant 4095 : i32
      %parallel_loop3A_149 = vector.broadcast %parallel_loop3A_148 : i32 to vector<16xi32>
      %parallel_loop3A_150 = arith.andi %parallel_loop3A_147, %parallel_loop3A_149 : vector<16xi32>
      %parallel_loop3A_151 = tpu.vector_load_idx %arg5[%parallel_loop3A_150] : memref<4096xf32, #tpu.memory_space<vmem>>[vector<16xi32>], vector<16xf32>,
      %parallel_loop3A_152 = arith.addf %parallel_loop3A_141, %parallel_loop3A_151 : vector<16xf32>
      %parallel_loop3A_153 = arith.constant 6 : i32
      %parallel_loop3A_154 = arith.addi %parallel_loop3A_89, %parallel_loop3A_153 : i32
      %parallel_loop3A_155 = arith.constant 5 : i32
      %parallel_loop3A_156 = arith.subi %parallel_loop3A_154, %parallel_loop3A_155 : i32
      %parallel_loop3A_157 = vector.broadcast %parallel_loop3A_156 : i32 to vector<16xi32>
      %parallel_loop3A_158 = arith.addi %iota3A, %parallel_loop3A_157 : vector<16xi32>
      %parallel_loop3A_159 = arith.constant 4095 : i32
      %parallel_loop3A_160 = vector.broadcast %parallel_loop3A_159 : i32 to vector<16xi32>
      %parallel_loop3A_161 = arith.andi %parallel_loop3A_158, %parallel_loop3A_160 : vector<16xi32>
      %parallel_loop3A_162 = tpu.vector_load_idx %arg5[%parallel_loop3A_161] : memref<4096xf32, #tpu.memory_space<vmem>>[vector<16xi32>], vector<16xf32>,
      %parallel_loop3A_163 = arith.addf %parallel_loop3A_152, %parallel_loop3A_162 : vector<16xf32>
      %parallel_loop3A_164 = arith.constant 7 : i32
      %parallel_loop3A_165 = arith.addi %parallel_loop3A_89, %parallel_loop3A_164 : i32
      %parallel_loop3A_166 = arith.constant 5 : i32
      %parallel_loop3A_167 = arith.subi %parallel_loop3A_165, %parallel_loop3A_166 : i32
      %parallel_loop3A_168 = vector.broadcast %parallel_loop3A_167 : i32 to vector<16xi32>
      %parallel_loop3A_169 = arith.addi %iota3A, %parallel_loop3A_168 : vector<16xi32>
      %parallel_loop3A_170 = arith.constant 4095 : i32
      %parallel_loop3A_171 = vector.broadcast %parallel_loop3A_170 : i32 to vector<16xi32>
      %parallel_loop3A_172 = arith.andi %parallel_loop3A_169, %parallel_loop3A_171 : vector<16xi32>
      %parallel_loop3A_173 = tpu.vector_load_idx %arg5[%parallel_loop3A_172] : memref<4096xf32, #tpu.memory_space<vmem>>[vector<16xi32>], vector<16xf32>,
      %parallel_loop3A_174 = arith.addf %parallel_loop3A_163, %parallel_loop3A_173 : vector<16xf32>
      %parallel_loop3A_175 = arith.constant 8 : i32
      %parallel_loop3A_176 = arith.addi %parallel_loop3A_89, %parallel_loop3A_175 : i32
      %parallel_loop3A_177 = arith.constant 5 : i32
      %parallel_loop3A_178 = arith.subi %parallel_loop3A_176, %parallel_loop3A_177 : i32
      %parallel_loop3A_179 = vector.broadcast %parallel_loop3A_178 : i32 to vector<16xi32>
      %parallel_loop3A_180 = arith.addi %iota3A, %parallel_loop3A_179 : vector<16xi32>
      %parallel_loop3A_181 = arith.constant 4095 : i32
      %parallel_loop3A_182 = vector.broadcast %parallel_loop3A_181 : i32 to vector<16xi32>
      %parallel_loop3A_183 = arith.andi %parallel_loop3A_180, %parallel_loop3A_182 : vector<16xi32>
      %parallel_loop3A_184 = tpu.vector_load_idx %arg5[%parallel_loop3A_183] : memref<4096xf32, #tpu.memory_space<vmem>>[vector<16xi32>], vector<16xf32>,
      %parallel_loop3A_185 = arith.addf %parallel_loop3A_174, %parallel_loop3A_184 : vector<16xf32>
      %parallel_loop3A_186 = arith.constant 9 : i32
      %parallel_loop3A_187 = arith.addi %parallel_loop3A_89, %parallel_loop3A_186 : i32
      %parallel_loop3A_188 = arith.constant 5 : i32
      %parallel_loop3A_189 = arith.subi %parallel_loop3A_187, %parallel_loop3A_188 : i32
      %parallel_loop3A_190 = vector.broadcast %parallel_loop3A_189 : i32 to vector<16xi32>
      %parallel_loop3A_191 = arith.addi %iota3A, %parallel_loop3A_190 : vector<16xi32>
      %parallel_loop3A_192 = arith.constant 4095 : i32
      %parallel_loop3A_193 = vector.broadcast %parallel_loop3A_192 : i32 to vector<16xi32>
      %parallel_loop3A_194 = arith.andi %parallel_loop3A_191, %parallel_loop3A_193 : vector<16xi32>
      %parallel_loop3A_195 = tpu.vector_load_idx %arg5[%parallel_loop3A_194] : memref<4096xf32, #tpu.memory_space<vmem>>[vector<16xi32>], vector<16xf32>,
      %parallel_loop3A_196 = arith.addf %parallel_loop3A_185, %parallel_loop3A_195 : vector<16xf32>
      %parallel_loop3A_197 = arith.constant 16 : i32
      %parallel_loop3A_198 = arith.muli %parallel_loop3A_86, %parallel_loop3A_197 : i32
      %parallel_loop3A_199 = arith.constant 5 : i32
      %parallel_loop3A_200 = arith.muli %parallel_loop3A_198, %parallel_loop3A_199 : i32
      %parallel_loop3A_201 = arith.mulf %parallel_loop3A_196, %get3A_45 : vector<16xf32>
      %parallel_loop3A_202 = arith.addf %parallel_loop3A_201, %get3A_65 : vector<16xf32>
      %parallel_loop3A_203 = arith.constant 0.000000e+00 : f32
      %parallel_loop3A_204 = vector.broadcast %parallel_loop3A_203 : f32 to vector<16xf32>
      %parallel_loop3A_205 = arith.maximumf %parallel_loop3A_202, %parallel_loop3A_204 : vector<16xf32>
      %parallel_loop3A_206 = arith.constant 5 : i32
      %parallel_loop3A_207 = vector.broadcast %parallel_loop3A_206 : i32 to vector<16xi32>
      %parallel_loop3A_208 = arith.muli %iota3A, %parallel_loop3A_207 : vector<16xi32>
      %parallel_loop3A_209 = arith.constant 0 : i32
      %parallel_loop3A_210 = arith.addi %parallel_loop3A_200, %parallel_loop3A_209 : i32
      %parallel_loop3A_211 = vector.broadcast %parallel_loop3A_210 : i32 to vector<16xi32>
      %parallel_loop3A_212 = arith.addi %parallel_loop3A_208, %parallel_loop3A_211 : vector<16xi32>
      tpu.vector_store_idx %arg6[%parallel_loop3A_212], %parallel_loop3A_205 : memref<10240xf32, #tpu.memory_space<vmem>>[vector<16xi32>], vector<16xf32>,
      %parallel_loop3A_213 = arith.mulf %parallel_loop3A_196, %get3A_49 : vector<16xf32>
      %parallel_loop3A_214 = arith.addf %parallel_loop3A_213, %get3A_69 : vector<16xf32>
      %parallel_loop3A_215 = arith.constant 0.000000e+00 : f32
      %parallel_loop3A_216 = vector.broadcast %parallel_loop3A_215 : f32 to vector<16xf32>
      %parallel_loop3A_217 = arith.maximumf %parallel_loop3A_214, %parallel_loop3A_216 : vector<16xf32>
      %parallel_loop3A_218 = arith.constant 5 : i32
      %parallel_loop3A_219 = vector.broadcast %parallel_loop3A_218 : i32 to vector<16xi32>
      %parallel_loop3A_220 = arith.muli %iota3A, %parallel_loop3A_219 : vector<16xi32>
      %parallel_loop3A_221 = arith.constant 1 : i32
      %parallel_loop3A_222 = arith.addi %parallel_loop3A_200, %parallel_loop3A_221 : i32
      %parallel_loop3A_223 = vector.broadcast %parallel_loop3A_222 : i32 to vector<16xi32>
      %parallel_loop3A_224 = arith.addi %parallel_loop3A_220, %parallel_loop3A_223 : vector<16xi32>
      tpu.vector_store_idx %arg6[%parallel_loop3A_224], %parallel_loop3A_217 : memref<10240xf32, #tpu.memory_space<vmem>>[vector<16xi32>], vector<16xf32>,
      %parallel_loop3A_225 = arith.mulf %parallel_loop3A_196, %get3A_53 : vector<16xf32>
      %parallel_loop3A_226 = arith.addf %parallel_loop3A_225, %get3A_73 : vector<16xf32>
      %parallel_loop3A_227 = arith.constant 0.000000e+00 : f32
      %parallel_loop3A_228 = vector.broadcast %parallel_loop3A_227 : f32 to vector<16xf32>
      %parallel_loop3A_229 = arith.maximumf %parallel_loop3A_226, %parallel_loop3A_228 : vector<16xf32>
      %parallel_loop3A_230 = arith.constant 5 : i32
      %parallel_loop3A_231 = vector.broadcast %parallel_loop3A_230 : i32 to vector<16xi32>
      %parallel_loop3A_232 = arith.muli %iota3A, %parallel_loop3A_231 : vector<16xi32>
      %parallel_loop3A_233 = arith.constant 2 : i32
      %parallel_loop3A_234 = arith.addi %parallel_loop3A_200, %parallel_loop3A_233 : i32
      %parallel_loop3A_235 = vector.broadcast %parallel_loop3A_234 : i32 to vector<16xi32>
      %parallel_loop3A_236 = arith.addi %parallel_loop3A_232, %parallel_loop3A_235 : vector<16xi32>
      tpu.vector_store_idx %arg6[%parallel_loop3A_236], %parallel_loop3A_229 : memref<10240xf32, #tpu.memory_space<vmem>>[vector<16xi32>], vector<16xf32>,
      %parallel_loop3A_237 = arith.mulf %parallel_loop3A_196, %get3A_57 : vector<16xf32>
      %parallel_loop3A_238 = arith.addf %parallel_loop3A_237, %get3A_77 : vector<16xf32>
      %parallel_loop3A_239 = arith.constant 0.000000e+00 : f32
      %parallel_loop3A_240 = vector.broadcast %parallel_loop3A_239 : f32 to vector<16xf32>
      %parallel_loop3A_241 = arith.maximumf %parallel_loop3A_238, %parallel_loop3A_240 : vector<16xf32>
      %parallel_loop3A_242 = arith.constant 5 : i32
      %parallel_loop3A_243 = vector.broadcast %parallel_loop3A_242 : i32 to vector<16xi32>
      %parallel_loop3A_244 = arith.muli %iota3A, %parallel_loop3A_243 : vector<16xi32>
      %parallel_loop3A_245 = arith.constant 3 : i32
      %parallel_loop3A_246 = arith.addi %parallel_loop3A_200, %parallel_loop3A_245 : i32
      %parallel_loop3A_247 = vector.broadcast %parallel_loop3A_246 : i32 to vector<16xi32>
      %parallel_loop3A_248 = arith.addi %parallel_loop3A_244, %parallel_loop3A_247 : vector<16xi32>
      tpu.vector_store_idx %arg6[%parallel_loop3A_248], %parallel_loop3A_241 : memref<10240xf32, #tpu.memory_space<vmem>>[vector<16xi32>], vector<16xf32>,
      %parallel_loop3A_249 = arith.mulf %parallel_loop3A_196, %get3A_61 : vector<16xf32>
      %parallel_loop3A_250 = arith.addf %parallel_loop3A_249, %get3A_81 : vector<16xf32>
      %parallel_loop3A_251 = arith.constant 0.000000e+00 : f32
      %parallel_loop3A_252 = vector.broadcast %parallel_loop3A_251 : f32 to vector<16xf32>
      %parallel_loop3A_253 = arith.maximumf %parallel_loop3A_250, %parallel_loop3A_252 : vector<16xf32>
      %parallel_loop3A_254 = arith.constant 5 : i32
      %parallel_loop3A_255 = vector.broadcast %parallel_loop3A_254 : i32 to vector<16xi32>
      %parallel_loop3A_256 = arith.muli %iota3A, %parallel_loop3A_255 : vector<16xi32>
      %parallel_loop3A_257 = arith.constant 4 : i32
      %parallel_loop3A_258 = arith.addi %parallel_loop3A_200, %parallel_loop3A_257 : i32
      %parallel_loop3A_259 = vector.broadcast %parallel_loop3A_258 : i32 to vector<16xi32>
      %parallel_loop3A_260 = arith.addi %parallel_loop3A_256, %parallel_loop3A_259 : vector<16xi32>
      tpu.vector_store_idx %arg6[%parallel_loop3A_260], %parallel_loop3A_253 : memref<10240xf32, #tpu.memory_space<vmem>>[vector<16xi32>], vector<16xf32>,
    } {sc.loop_unroll_factor = 4 : i64, sc.parallel_access}
    %mul3A_84 = arith.constant 5 : i32
    %mul3A_85 = arith.muli %mul3A_32, %mul3A_84 : i32
    "tpu.region"() ({
      %run_scoped3A = tpu.sem_alloc : memref<!tpu.dma_semaphore, #tpu.memory_space<semaphore_mem>>
      %dma_start3A_86 = tpu.memref_slice %arg4[%select_n3A, %mul3A_85] : memref<16x20480xf32, #tpu.memory_space<hbm>> -> memref<1x10240xf32, #tpu.memory_space<hbm>>
      %dma_start3A_87 = tpu.memref_squeeze %dma_start3A_86 : memref<1x10240xf32, #tpu.memory_space<hbm>> -> memref<10240xf32, #tpu.memory_space<hbm>>
      %dma_start3A_88 = tpu.memref_slice %arg4[%select_n3A, %mul3A_85] : memref<16x20480xf32, #tpu.memory_space<hbm>> -> memref<1x10240xf32, #tpu.memory_space<hbm>>
      %dma_start3A_89 = tpu.memref_squeeze %dma_start3A_88 : memref<1x10240xf32, #tpu.memory_space<hbm>> -> memref<10240xf32, #tpu.memory_space<hbm>>
      tpu.enqueue_dma source(%arg6 : memref<10240xf32, #tpu.memory_space<vmem>>) target(%dma_start3A_89 : memref<10240xf32, #tpu.memory_space<hbm>>) target_semaphore(%run_scoped3A : memref<!tpu.dma_semaphore, #tpu.memory_space<semaphore_mem>>)
      %dma_wait3A_90 = tpu.memref_slice %arg4[%select_n3A, %mul3A_85] : memref<16x20480xf32, #tpu.memory_space<hbm>> -> memref<1x10240xf32, #tpu.memory_space<hbm>>
      %dma_wait3A_91 = tpu.memref_squeeze %dma_wait3A_90 : memref<1x10240xf32, #tpu.memory_space<hbm>> -> memref<10240xf32, #tpu.memory_space<hbm>>
      %dma_wait3A_92 = tpu.memref_slice %arg4[%select_n3A, %mul3A_85] : memref<16x20480xf32, #tpu.memory_space<hbm>> -> memref<1x10240xf32, #tpu.memory_space<hbm>>
      %dma_wait3A_93 = tpu.memref_squeeze %dma_wait3A_92 : memref<1x10240xf32, #tpu.memory_space<hbm>> -> memref<10240xf32, #tpu.memory_space<hbm>>
      tpu.wait_dma2 semaphore(%run_scoped3A : memref<!tpu.dma_semaphore, #tpu.memory_space<semaphore_mem>>) src(%arg6 : memref<10240xf32, #tpu.memory_space<vmem>>) dst(%dma_wait3A_93 : memref<10240xf32, #tpu.memory_space<hbm>>)
      tpu.yield
    }) : () -> ()
    return
  }
}

module attributes {stable_mosaic.version = 14 : i64} {
  func.func @_mm_body(%arg0: i32, %arg1: memref<16x20480xf32, #tpu.memory_space<vmem>>, %arg2: memref<128x20480xf32, #tpu.memory_space<vmem>>, %arg3: memref<16x128xf32, #tpu.memory_space<vmem>>) attributes {dimension_semantics = [#tpu.dimension_semantics<arbitrary>], iteration_bounds = array<i64: 32>, scalar_prefetch = 0 : i64, scratch_operands = 0 : i64, tpu.core_type = #tpu.core_type<tc>, window_params = [{pipeline_mode = #tpu.pipeline_mode<synchronous>, transform_indices = @transform_0, window_bounds = array<i64: 16, 20480>}, {transform_indices = @transform_1, window_bounds = array<i64: 128, 20480>}, {transform_indices = @transform_2, window_bounds = array<i64: 16, 128>}]} {
    %get3A = arith.constant 0 : index
    %get3A_0 = arith.constant 0 : index
    %get3A_1 = vector.load %arg1[%get3A, %get3A_0] : memref<16x20480xf32, #tpu.memory_space<vmem>>, vector<16x20480xf32>
    %get3A_2 = arith.constant 0 : index
    %get3A_3 = arith.constant 0 : index
    %get3A_4 = vector.load %arg2[%get3A_2, %get3A_3] : memref<128x20480xf32, #tpu.memory_space<vmem>>, vector<128x20480xf32>
    %dot_general3A = arith.constant dense<0.000000e+00> : vector<16x128xf32>
    %dot_general3A_5 = tpu.matmul %get3A_1, %get3A_4, %dot_general3A {dimension_numbers = #tpu.dot_dimension_numbers<[1], [1], [0], [0], [0, 0, 1, 0], [], []>, transpose_lhs_hint = false} : vector<16x20480xf32>, vector<128x20480xf32>, vector<16x128xf32> -> vector<16x128xf32>
    %swap3A = arith.constant 0 : index
    %swap3A_6 = arith.constant 0 : index
    %swap3A_7 = vector.load %arg3[%swap3A, %swap3A_6] : memref<16x128xf32, #tpu.memory_space<vmem>>, vector<16x128xf32>
    tpu.vector_store %arg3[%swap3A, %swap3A_6], %dot_general3A_5 {strides = array<i32>} : memref<16x128xf32, #tpu.memory_space<vmem>>, vector<16x128xf32>,
    return
  }
  func.func @transform_0(%arg0: i32) -> (i32, i32) {
    %c0_i32 = arith.constant 0 : i32
    %c0_i32_0 = arith.constant 0 : i32
    %c0_i32_1 = arith.constant 0 : i32
    return %c0_i32, %c0_i32_0 : i32, i32
  }
  func.func @transform_1(%arg0: i32) -> (i32, i32) {
    %c0_i32 = arith.constant 0 : i32
    %c0_i32_0 = arith.constant 0 : i32
    return %arg0, %c0_i32 : i32, i32
  }
  func.func @transform_2(%arg0: i32) -> (i32, i32) {
    %c0_i32 = arith.constant 0 : i32
    %c0_i32_0 = arith.constant 0 : i32
    return %c0_i32, %arg0 : i32, i32
  }
}

</mosaic_0001>

<sc_bundles>
// kernel: kernel.4.cloned.1.call-start
scs
__scs_entry_jumppad:
0x0: {  	(pc) =	sbr.rel $0x88, $3  }
0x1: {  	(tag) =	ssettag $0x0;
	lr =	simm.s32 $0x1  }
0x2: {  	[smem:$0x3F9D] =	sst lr;
	_ =	strace $0xD0000000  }
0x3: {  	_ = 	snop  }
0x4: {  	_ = 	snop  }
0x5: {  	_ = 	snop  }
0x6: {  	_ = 	snop  }
0x7: {  	_ = 	snop  }
__scs_overlays_trampoline_lowered:
0x8: {  	[smem:$0x3FAC] =	sst s0  }
0x9: {  	[smem:$0x3FAD] =	sst s1  }
0xa: {  	[smem:$0x3FAE] =	sst s2  }
0xb: {  	[smem:$0x3FAF] =	sst s3  }
0xc: {  	[smem:$0x3FB0] =	sst s4  }
0xd: {  	[smem:$0x3FB1] =	sst s5  }
0xe: {  	[smem:$0x3FB2] =	sst s6  }
0xf: {  	[smem:$0x3FB3] =	sst s7  }
0x10: {  	[smem:$0x3FB4] =	sst s8  }
0x11: {  	[smem:$0x3FB5] =	sst s9;
	s0 =	simm.s32 @!p0 $0x0  }
0x12: {  	s1 =	sld [smem:$0x3F9B];
	s0 =	simm.s32 @p0 $0x1  }
0x13: {  	[smem:$0x3FB6] =	sst s0;
	s0 =	simm.s32 @!p1 $0x0  }
0x14: {  	s2 =	sld [smem:$0x3F9A];
	s0 =	simm.s32 @p1 $0x1  }
0x15: {  	[smem:$0x3FB7] =	sst s0;
	s0 =	simm.s32 @!p2 $0x0  }
0x16: {  	s3 =	sld [smem:$0x3FDB];
	s0 =	simm.s32 @p2 $0x1  }
0x17: {  	s4 =	simm.s32 $0x1BF5;
	[smem:$0x3FB9] =	sst s0  }
0x18: {  	s0 =	sld [smem:$0x3F9C];
	_ =	swait.ge [sflag:s4], $0x0  }
0x19: {  	s7 =	sld [smem:$0x3F9D]  }
0x1a: {  	s8 =	sadd.s32 $0xFFFFE003, lr  }
0x1b: {  	s9 =	sadd.s32 $0xFFFFFEF7, lr;
	s5 =	simm.s32 $0xFFFFFFFF;
	p2 =	slt.u32 s8, $0xFFFFF086  }
0x1c: {  	p1 =	slt.u32 s9, $0xF7A;
	s5 =	simm.s32 @!p2 $0x0  }
0x1d: {  	s5 =	simm.s32 @p1 $0x1;
	p0 =	seq.s32 s7, s2  }
0x1e: {  	s7 =	smul.u32 @!p0 $0xF7A, s2;
	p2 =	seq.s32 @!p0 s5, $0x0  }
0x1f: {  	s9 =	smul.u32 $0xF7A, s1;
	s8 =	simm.s32 @!p0 $0x1BF5;
	p2 =	por !p2, p0  }
0x20: {  	[sflag:s8] =	ssyncset.s32 @!p0 $0xFFFFF086;
	s6 =	sadd.s32 @!p0 s3, s7;
	s7 =	simm.s32 @!p0 $0x108  }
0x21: {  	s3 =	sadd.s32 s3, s9;
	s6 =	sadd.s32 @!p0 $0x88, s6;
	s7 =	simm.s32 @p2 $0x1082  }
0x22: {  	[simem:s7], [sflag:s8] =	dma.local @!p0 [hbm:s6], $0xF7A  }
0x23: {  	s9 =	sor.u32 $0xD0000000, s2;
	s6 =	simm.s32 $0x108;
	_ =	swait.ge @!p0 [sflag:s8], $0x0  }
0x24: {  	s3 =	sadd.s32 $0x88, s3;
	s6 =	simm.s32 @!p1 $0x1082;
	[sflag:s4] =	ssyncset.s32 $0xFFFFF086  }
0x25: {  	[simem:s6], [sflag:s4] =	dma.local [hbm:s3], $0xF7A  }
0x26: {  	[smem:$0x3F9D] =	sst s1;
	(tag) =	ssettag s2;
	_ =	strace s9  }
0x27: {  	s1 =	sld [smem:$0x3FAD]  }
0x28: {  	s2 =	sld [smem:$0x3FAE]  }
0x29: {  	s4 =	sld [smem:$0x3FB0]  }
0x2a: {  	p0 =	seq.s32 s5, $0x0;
	s5 =	sld [smem:$0x3FB1]  }
0x2b: {  	s6 =	sld [smem:$0x3FB2]  }
0x2c: {  	s7 =	sld [smem:$0x3FB3]  }
0x2d: {  	s3 =	simm.s32 $0x108;
	s8 =	sld [smem:$0x3FB4]  }
0x2e: {  	s3 =	simm.s32 @!p0 $0x1082;
	s9 =	sld [smem:$0x3FB5]  }
0x2f: {  	lr =	sadd.s32 s0, s3;
	s0 =	sld [smem:$0x3FAC]  }
0x30: {  	s3 =	sld [smem:$0x3FAF]  }
0x31: {  	[smem:$0x3FB8] =	sst s10  }
0x32: {  	s10 =	sld [smem:$0x3FB6];
	_ =	sdelay $0x3  }
0x33: {  	p0 =	seq.s32 s10, $0x1;
	s10 =	sld [smem:$0x3FB8];
	_ =	sdelay $0x3  }
0x34: {  	[smem:$0x3FB8] =	sst s10  }
0x35: {  	s10 =	sld [smem:$0x3FB7];
	_ =	sdelay $0x3  }
0x36: {  	p1 =	seq.s32 s10, $0x1;
	s10 =	sld [smem:$0x3FB8];
	_ =	sdelay $0x3  }
0x37: {  	[smem:$0x3FB8] =	sst s10  }
0x38: {  	s10 =	sld [smem:$0x3FB9]  }
0x39: {  	_ = 	snop;
	(pc) =	sbr.ind lr, $3  }
0x3a: {  	_ = 	snop  }
0x3b: {  	_ = 	snop  }
0x3c: {  	p2 =	seq.s32 s10, $0x1;
	s10 =	sld [smem:$0x3FB8]  }
0x3d: {  	_ =	shalt  }
0x3e: {  	_ =	shalt  }
0x3f: {  	_ =	shalt  }
0x40: {  	_ =	shalt  }
0x41: {  	_ =	shalt  }
0x42: {  	_ =	shalt  }
0x43: {  	_ =	shalt  }
0x44: {  	_ =	shalt  }
0x45: {  	_ =	shalt  }
0x46: {  	_ =	shalt  }
0x47: {  	_ =	shalt  }
0x48: {  	_ =	shalt  }
0x49: {  	_ =	shalt  }
0x4a: {  	_ =	shalt  }
0x4b: {  	_ =	shalt  }
0x4c: {  	_ =	shalt  }
0x4d: {  	_ =	shalt  }
0x4e: {  	_ =	shalt  }
0x4f: {  	_ =	shalt  }
0x50: {  	_ =	shalt  }
0x51: {  	_ =	shalt  }
0x52: {  	_ =	shalt  }
0x53: {  	_ =	shalt  }
0x54: {  	_ =	shalt  }
0x55: {  	_ =	shalt  }
0x56: {  	_ =	shalt  }
0x57: {  	_ =	shalt  }
0x58: {  	_ =	shalt  }
0x59: {  	_ =	shalt  }
0x5a: {  	_ =	shalt  }
0x5b: {  	_ =	shalt  }
0x5c: {  	_ =	shalt  }
0x5d: {  	_ =	shalt  }
0x5e: {  	_ =	shalt  }
0x5f: {  	_ =	shalt  }
0x60: {  	_ =	shalt  }
0x61: {  	_ =	shalt  }
0x62: {  	_ =	shalt  }
0x63: {  	_ =	shalt  }
0x64: {  	_ =	shalt  }
0x65: {  	_ =	shalt  }
0x66: {  	_ =	shalt  }
0x67: {  	_ =	shalt  }
0x68: {  	_ =	shalt  }
0x69: {  	_ =	shalt  }
0x6a: {  	_ =	shalt  }
0x6b: {  	_ =	shalt  }
0x6c: {  	_ =	shalt  }
0x6d: {  	_ =	shalt  }
0x6e: {  	_ =	shalt  }
0x6f: {  	_ =	shalt  }
0x70: {  	_ =	shalt  }
0x71: {  	_ =	shalt  }
0x72: {  	_ =	shalt  }
0x73: {  	_ =	shalt  }
0x74: {  	_ =	shalt  }
0x75: {  	_ =	shalt  }
0x76: {  	_ =	shalt  }
0x77: {  	_ =	shalt  }
0x78: {  	_ =	shalt  }
0x79: {  	_ =	shalt  }
0x7a: {  	_ =	shalt  }
0x7b: {  	_ =	shalt  }
0x7c: {  	_ =	shalt  }
0x7d: {  	_ =	shalt  }
0x7e: {  	_ =	shalt  }
0x7f: {  	_ =	shalt  }
0x80: {  	_ =	shalt  }
0x81: {  	_ =	shalt  }
0x82: {  	_ =	shalt  }
0x83: {  	_ =	shalt  }
0x84: {  	_ =	shalt  }
0x85: {  	_ =	shalt  }
0x86: {  	_ =	shalt  }
0x87: {  	_ =	shalt  }
.Lfunc_end0:
.L_simem_size_0:
called_computation_lowered:
.L_overlay_start_0:
0x88: {  	s2 =	sld [smem:$0x3FD9]  }
0x89: {  	s3 =	sld [smem:$0x3FFE];
	_ =	sdelay $0x1  }
0x8a: {  	s1 =	srdreg.scid  }
0x8b: {  	s0 =	sand.u32 $0x1, s1  }
0x8c: {  	s17 =	sshll.u32 s0, $0xA;
	s2 =	sadd.s32 s3, s2  }
0x8d: {  	s2 =	sadd.s32 s2, s17  }
0x8e: {  	[smem:$0x3FC4] =	sst s2  }
0x8f: {  	_ = 	snop  }
0x90: {  	s2 =	sld [smem:$0x3FC9]  }
0x91: {  	s18 =	sld [smem:$0x3FD0];
	(tm) =	ssettm $0x1  }
0x92: {  	s4 =	sld [smem:$0x3FFB];
	_ =	sdelay $0x3  }
0x93: {  	_ =	strace s4  }
0x94: {  	s4 =	sld [smem:$0x3FFC];
	_ =	sdelay $0x3  }
0x95: {  	_ =	strace s4  }
0x96: {  	s4 =	sld [smem:$0x3FFD];
	_ =	sdelay $0x3  }
0x97: {  	_ =	strace s4  }
0x98: {  	_ =	strace $0x8FFFFFFF  }
0x99: {  	s19 =	sld [smem:$0x3FDB];
	_ =	sdelay $0x1  }
0x9a: {  	s5 =	simm.s32 $_scs_section_size  }
0x9b: {  	s6 =	simm.s32 $_size__tile_overlayer_lowered;
	s7 =	simm.s32 $_tile_overlayer_lowered  }
0x9c: {  	s22 =	simm.s32 $0x1BFF;
	s21 =	sshll.u32 s7, $0x1;
	s4 =	sadd.s32 s5, s19  }
0x9d: {  	s8 =	simm.s32 $0x0;
	s20 =	sshll.u32 s6, $0x1;
	s6 =	sadd.s32 s21, s4  }
0x9e: {  	[timem:s8], [sflag:s22] =	dma.local [hbm:s6], s20  }
0x9f: {  	_ =	swait.ge [sflag:s22], s20  }
0xa0: {  	s5 =	ssub.s32 $0x0, s20;
	[sflag:s22] =	ssyncset.done $0x0  }
0xa1: {  	[sflag:s22] =	ssyncadd.s32 s5;
	_ =	sdelay $0x1  }
0xa2: {  	s23 =	simm.s32 $0x1B8B  }
0xa3: {  	_ =	swait.ge [sflag:s23], $0x1  }
0xa4: {  	[sflag:s23] =	ssyncset.done $0x0  }
0xa5: {  	s25 =	simm.s32 $0x1B8E;
	s24 =	sld [smem:$0x3FFE];
	[sflag:s23] =	ssyncadd.s32 $0xFFFFFFFF  }
0xa6: {  	s26 =	simm.s32 $execute0_lowered;
	[smem:$0x3FD2] =	sst s25  }
0xa7: {  	s6 =	sshll.u32 s26, $0x1;
	_ =	strace $0x80000046;
	[dreg:$0x1] =	wrdreg $0xFFFFFFFF  }
0xa8: {  	s28 =	simm.s32 $_size_execute0_lowered;
	s4 =	sadd.s32 s4, s6;
	[dreg:$0x0] =	wrdreg $0x0  }
0xa9: {  	s6 =	sshll.u32 s28, $0x1;
	[dreg:$0x2] =	wrdreg s4  }
0xaa: {  	[dreg:$0x3] =	wrdreg s6  }
0xab: {  	[dreg:$0x4] =	wrdreg $0xC0  }
0xac: {  	_ =	task [dreg:s8], $0x5FFFF  }
0xad: {  	[dreg:$0x1] =	wrdreg $0xFFFFFFFF  }
0xae: {  	[dreg:$0x0] =	wrdreg $0x60  }
0xaf: {  	[dreg:$0x2] =	wrdreg s2  }
0xb0: {  	[dreg:$0x3] =	wrdreg s18  }
0xb1: {  	[dreg:$0x4] =	wrdreg s24  }
0xb2: {  	[dreg:$0x5] =	wrdreg $0x9  }
0xb3: {  	_ =	task.clear_ibuf [dreg:s8], $0x6FFFF;
	_ =	strace $0x90000046  }
0xb4: {  	s29 =	simm.s32 $0x9;
	_ =	strace $0x80000048  }
0xb5: {  	_ =	swait.ge [sflag:s29], $0x1  }
0xb6: {  	[sflag:s29] =	ssyncadd.s32 $0xFFFFFFFF  }
0xb7: {  	_ =	strace $0x90000048  }
0xb8: {  	_ =	sfence  }
0xb9: {  	s30 =	sld [smem:$0x0];
	_ =	sdelay $0x2  }
0xba: {  	s31 =	sshll.u32 s1, $0xD;
	s1 =	sshrl.u32 s1, $0x2  }
0xbb: {  	s3 =	sand.u32 $0x4000, s31;
	s1 =	sadd.s32 s1, s30  }
0xbc: {  	s0 =	sor.u32 s3, s0;
	s1 =	sshll.u32 s1, $0x11  }
0xbd: {  	s0 =	sor.u32 s1, s0  }
0xbe: {  	s0 =	sadd.s32 $0x8F2B, s0  }
0xbf: {  	[sflag:s0] =	ssyncadd.remote.s32 $0x1  }
0xc0: {  	_ =	sfence.sel $0xFFFF  }
0xc1: {  	[dreg:$0x0] =	wrdreg $0xFFFFFFFF;
	(pc) =	sbr.abs _section_cstart, $3  }
0xc2: {  	[dreg:$0x1] =	wrdreg $0xFFFFFFFF  }
0xc3: {  	_ =	task.clear_ibuf [dreg:s8], $0x2FFFF;
	_ =	strace $0x9FFFFFFF  }
0xc4: {  	(tm) =	ssettm $0x7FFFFFFF  }
0xc5: {  	_ =	shalt  }
tec
execute0_lowered:
.L_overlay_start_1:
0x0: {  	(tag) =	ssettag $0x1  }
0x1: {  	s0 =	srdreg.scid  }
0x2: {  	s3 =	stileid.u32;
	s0 =	sand.u32 $0x1, s0  }
0x3: {  	s1 =	sor.u32 s0, s3  }
0x4: {  	p1 =	seq.s32 s0, $0x1;
	p0 =	seq.s32 s1, $0x0  }
0x5: {  	s2 =	rddreg [dreg:$0x0];
	p0 =	por !p0, !p1  }
0x6: {  	s5 =	rddreg [dreg:$0x2];
	s1 =	simm.s32 $0x1;
	p0 =	por !p0, !p0  }
0x7: {  	s4 =	simm.s32 $0x1;
	s12 =	simm.s32 $0x2;
	s1 =	simm.s32 @!p0 $0x0  }
0x8: {  	s13 =	simm.s32 $0x1000;
	s14 =	simm.s32 $0x3;
	s1 =	ssub.s32 s3, s1  }
0x9: {  	s8 =	smul.u32 $0x14000, s0;
	s29 =	ssub.s32 $0x2, s0;
	s6 =	sshrl.u32 s1, $0x3  }
0xa: {  	s15 =	simm.s32 $0x0;
	s9 =	sshrl.u32 s29, $0x1;
	s7 =	smul.u32 $0x28000, s6  }
0xb: {  	s0 =	sshll.u32 s0, $0xB;
	s31 =	ssub.s32 s29, s9;
	s1 =	sshll.u32 s1, $0x7  }
0xc: {  	s3 =	simm.s32 $0x0;
	s1 =	sand.u32 $0x380, s1;
	s7 =	sadd.s32 s8, s7  }
0xd: {  	[smem:$0x7FF] =	sst s3;
	s6 =	sshll.u32 s6, $0xF;
	s7 =	sor.u32 s1, s7  }
0xe: {  	_ =	strace $0x80000047;
	s1 =	sor.u32 s1, s6;
	s7 =	sshrl.u32 s7, $0x3  }
0xf: {  	s8 =	sor.u32 $0x34, s0;
	s1 =	sshrl.u32 s1, $0x3;
	s30 =	sadd.s32 s7, s5  }
0x10: {  	v0 =	vlaneseq.u32;
	s1 =	sadd.s32 s2, s1;
	s7 =	smax.u32 s31, $0x1;
	s2 =	simm.s32 $0x400  }
0x11: {  	v1 =	vmul.u32 $0x5, v0;
	[dreg:$0x4] =	wrdreg s1;
	s6 =	sadd.s32 $0x600, s30;
	s1 =	simm.s32 $0x80  }
.LBB2_1:
0x12: {  	s0 =	rddreg [dreg:$0x4]  }
0x13: {  	[tilespmem:s3], [sflag:$0x1] =	stream.strided.gather [hbm4b:s0+s1], $0x1000, s2, s1, $0x38;
	[tilespmem:$0x4000] =	vst v63  }
0x14: {  	s5 =	simm.s32 $0x3800;
	s2 =	rddreg [dreg:$0x1]  }
0x15: {  	[tilespmem:s5], [sflag:$0x2] =	stream.linear.gather [hbm4b:s2+s3], $0x500, $0x38;
	[tilespmem:$0x4000] =	vst v63  }
0x16: {  	_ =	swait.ge [sflag:s4], $0x1000  }
0x17: {  	[sflag:s4] =	ssyncset.done $0x0  }
0x18: {  	[sflag:s4] =	ssyncadd.s32 $0xFFFFF000  }
0x19: {  	_ =	swait.ge [sflag:s12], $0x500  }
0x1a: {  	[sflag:s12] =	ssyncset.done $0x0  }
0x1b: {  	[sflag:s12] =	ssyncadd.s32 $0xFFFFFB00  }
0x1c: {  	v5 =	vld [tilespmem:$0x3800]  }
0x1d: {  	v6 =	vld [tilespmem:$0x3880]  }
0x1e: {  	v7 =	vld [tilespmem:$0x3900]  }
0x1f: {  	s9 =	sadd.s32 $0xFFFFFFF7, s8;
	v9 =	vld [tilespmem:$0x3980]  }
0x20: {  	s10 =	sadd.s32 $0xFFFFFFF8, s8;
	v2 =	vadd.s32 s9, v0;
	v10 =	vld [tilespmem:$0x3A00]  }
0x21: {  	s11 =	sadd.s32 $0xFFFFFFC7, s8;
	v3 =	vadd.s32 s10, v0;
	v12 =	vand.u32 $0xFFF, v2;
	v11 =	vld [tilespmem:$0x3A80]  }
0x22: {  	s16 =	sadd.s32 $0xFFFFFFF9, s8;
	v4 =	vadd.s32 s11, v0;
	v13 =	vand.u32 $0xFFF, v3;
	v2 =	vld [tilespmem:$0x3B00]  }
0x23: {  	s17 =	sadd.s32 $0xFFFFFFC8, s8;
	v8 =	vadd.s32 s16, v0;
	v14 =	vand.u32 $0xFFF, v4;
	v3 =	vld [tilespmem:$0x3B80]  }
0x24: {  	s20 =	sadd.s32 $0xFFFFFFFA, s8;
	v15 =	vadd.s32 s17, v0;
	v17 =	vand.u32 $0xFFF, v8;
	v4 =	vld [tilespmem:$0x3C00]  }
0x25: {  	s18 =	sadd.s32 $0xFFFFFFD7, s8;
	v19 =	vadd.s32 s20, v0;
	v15 =	vand.u32 $0xFFF, v15;
	v8 =	vld [tilespmem:$0x3C80]  }
0x26: {  	s19 =	sadd.s32 $0xFFFFFFD8, s8;
	s23 =	sadd.s32 $0xFFFFFFFB, s8;
	v54 =	vadd.s32 s8, v0;
	v16 =	vadd.s32 s18, v0;
	v19 =	vand.u32 $0xFFF, v19;
	v12 =	vld.idx.msk [tilespmem:v12+s3+$0x0], $0xffff  }
0x27: {  	s21 =	sadd.s32 $0xFFFFFFE7, s8;
	s22 =	sadd.s32 $0xFFFFFFE8, s8;
	v18 =	vadd.s32 s19, v0;
	v22 =	vadd.s32 s23, v0;
	v16 =	vand.u32 $0xFFF, v16;
	v13 =	vld.idx.msk [tilespmem:v13+s3+$0x0], $0xffff  }
0x28: {  	s24 =	sadd.s32 $0xFFFFFFC9, s8;
	s28 =	sadd.s32 $0xFFFFFFFC, s8;
	s31 =	sadd.s32 $0xFFFFFFFD, s8;
	v20 =	vadd.s32 s21, v0;
	v21 =	vadd.s32 s22, v0;
	v22 =	vand.u32 $0xFFF, v22;
	v14 =	vld.idx.msk [tilespmem:v14+s3+$0x0], $0xffff  }
0x29: {  	s25 =	sadd.s32 $0xFFFFFFD9, s8;
	s26 =	sadd.s32 $0xFFFFFFE9, s8;
	v23 =	vadd.s32 s24, v0;
	v26 =	vor.u32 s28, v0;
	v29 =	vadd.s32 s31, v0;
	v17 =	vld.idx.msk [tilespmem:v17+s3+$0x0], $0xffff  }
0x2a: {  	s29 =	sadd.s32 $0xFFFFFFCA, s8;
	s30 =	sadd.s32 $0xFFFFFFDA, s8;
	v24 =	vadd.s32 s25, v0;
	v25 =	vadd.s32 s26, v0;
	v29 =	vand.u32 $0xFFF, v29;
	v15 =	vld.idx.msk [tilespmem:v15+s3+$0x0], $0xffff  }
0x2b: {  	v27 =	vadd.s32 s29, v0;
	v28 =	vadd.s32 s30, v0;
	v24 =	vand.u32 $0xFFF, v24;
	v19 =	vld.idx.msk [tilespmem:v19+s3+$0x0], $0xffff  }
0x2c: {  	v18 =	vand.u32 $0xFFF, v18;
	v20 =	vand.u32 $0xFFF, v20;
	v25 =	vand.u32 $0xFFF, v25;
	v16 =	vld.idx.msk [tilespmem:v16+s3+$0x0], $0xffff  }
0x2d: {  	s1 =	sadd.s32 $0xFFFFFFEA, s8;
	s10 =	sadd.s32 $0xFFFFFFFF, s8;
	v21 =	vand.u32 $0xFFF, v21;
	v23 =	vand.u32 $0xFFF, v23;
	v27 =	vand.u32 $0xFFF, v27;
	v22 =	vld.idx.msk [tilespmem:v22+s3+$0x0], $0xffff  }
0x2e: {  	s11 =	sadd.s32 $0xFFFFFFEB, s8;
	s16 =	sadd.s32 $0xFFFFFFCC, s8;
	s17 =	sadd.s32 $0xFFFFFFDC, s8;
	v30 =	vadd.s32 s1, v0;
	v28 =	vand.u32 $0xFFF, v28;
	v33 =	vadd.s32 s10, v0;
	v26 =	vld.idx.msk [tilespmem:v26+s3+$0x0], $0xffff  }
0x2f: {  	s18 =	sadd.s32 $0xFFFFFFCD, s8;
	s21 =	sadd.s32 $0xFFFFFFED, s8;
	s23 =	sadd.s32 $0xFFFFFFDE, s8;
	v34 =	vadd.s32 s11, v0;
	v35 =	vor.u32 s16, v0;
	v56 =	vor.u32 s17, v0;
	v29 =	vld.idx.msk [tilespmem:v29+s3+$0x0], $0xffff  }
0x30: {  	s24 =	sadd.s32 $0xFFFFFFEE, s8;
	v36 =	vadd.s32 s18, v0;
	v37 =	vadd.s32 s21, v0;
	v57 =	vadd.s32 s23, v0;
	v24 =	vld.idx.msk [tilespmem:v24+s3+$0x0], $0xffff  }
0x31: {  	s25 =	sadd.s32 $0xFFFFFFCF, s8;
	s26 =	sadd.s32 $0xFFFFFFDF, s8;
	v38 =	vadd.s32 s24, v0;
	s2 =	sadd.s32 $0xFFFFFFFE, s8;
	v36 =	vand.u32 $0xFFF, v36;
	v25 =	vld.idx.msk [tilespmem:v25+s3+$0x0], $0xffff;
	v12 =	vadd.f32 v13, v12  }
0x32: {  	s29 =	sadd.s32 $0xFFFFFFD0, s8;
	v59 =	vadd.s32 s25, v0;
	v39 =	vadd.s32 s26, v0;
	v31 =	vadd.s32 s2, v0;
	v27 =	vld.idx.msk [tilespmem:v27+s3+$0x0], $0xffff  }
0x33: {  	s30 =	sadd.s32 $0xFFFFFFE0, s8;
	v60 =	vadd.s32 s29, v0;
	v13 =	vld.idx.msk [tilespmem:v18+s3+$0x0], $0xffff;
	v18 =	vand.u32 $0xFFF, v31;
	v12 =	vadd.f32 v17, v12  }
0x34: {  	v61 =	vadd.s32 s30, v0;
	v30 =	vand.u32 $0xFFF, v30;
	v55 =	vand.u32 $0xFFF, v34;
	v34 =	vld.idx.msk [tilespmem:v56+s3+$0x0], $0xffff  }
0x35: {  	s19 =	sadd.s32 $0xFFFFFFEC, s8;
	v58 =	vand.u32 $0xFFF, v38;
	v17 =	vld.idx.msk [tilespmem:v20+s3+$0x0], $0xffff;
	v20 =	vand.u32 $0xFFF, v33;
	v12 =	vadd.f32 v19, v12  }
0x36: {  	s9 =	sadd.s32 $0xFFFFFFDB, s8;
	v38 =	vand.u32 $0xFFF, v60;
	v43 =	vld.idx.msk [tilespmem:v36+s3+$0x0], $0xffff;
	v14 =	vadd.f32 v15, v14;
	v15 =	vor.u32 s19, v0  }
0x37: {  	s16 =	simm.s32 $0xF4;
	v31 =	vadd.s32 s9, v0;
	v19 =	vld.idx.msk [tilespmem:v21+s3+$0x0], $0xffff;
	v21 =	vand.u32 $0xFFF, v54;
	v12 =	vadd.f32 v22, v12  }
0x38: {  	s10 =	simm.s32 $0xF3;
	s5 =	sadd.s32 $0xFFFFFFCB, s8;
	v62 =	vand.u32 $0xFFF, v61;
	v40 =	vadd.s32 s16, v1;
	v31 =	vand.u32 $0xFFF, v31;
	v18 =	vld.idx.msk [tilespmem:v18+s3+$0x0], $0xffff  }
0x39: {  	s11 =	simm.s32 $0x0;
	s30 =	simm.s32 $0xA3;
	v46 =	vadd.s32 s10, v1;
	v32 =	vadd.s32 s5, v0;
	v22 =	vld.idx.msk [tilespmem:v23+s3+$0x0], $0xffff;
	v12 =	vadd.f32 v26, v12  }
0x3a: {  	v48 =	vadd.s32 s11, v1;
	v49 =	vadd.s32 s30, v1;
	s2 =	simm.s32 $0xF0;
	s5 =	simm.s32 $0xF1;
	v32 =	vand.u32 $0xFFF, v32;
	v20 =	vld.idx.msk [tilespmem:v20+s3+$0x0], $0xffff  }
0x3b: {  	s22 =	sadd.s32 $0xFFFFFFCE, s8;
	s18 =	simm.s32 $0x2;
	v63 =	vadd.s32 s2, v1;
	v52 =	vadd.s32 s5, v1;
	v15 =	vld.idx.msk [tilespmem:v15+s3+$0x0], $0xffff;
	v12 =	vadd.f32 v29, v12  }
0x3c: {  	s20 =	sadd.s32 $0xFFFFFFDD, s8;
	v36 =	vadd.s32 s18, v1;
	v13 =	vadd.f32 v13, v16;
	v16 =	vadd.s32 s22, v0;
	v21 =	vld.idx.msk [tilespmem:v21+s3+$0x0], $0xffff  }
0x3d: {  	v23 =	vadd.s32 s20, v0;
	v16 =	vand.u32 $0xFFF, v16;
	v31 =	vld.idx.msk [tilespmem:v31+s3+$0x0], $0xffff;
	v12 =	vadd.f32 v18, v12  }
0x3e: {  	s9 =	simm.s32 $0xF2;
	v23 =	vand.u32 $0xFFF, v23;
	v13 =	vadd.f32 v24, v13;
	v17 =	vadd.f32 v19, v17;
	v18 =	vld.idx.msk [tilespmem:v28+s3+$0x0], $0xffff  }
0x3f: {  	s31 =	sadd.s32 $0xFFFFFFF0, s8;
	v42 =	vadd.s32 s9, v1;
	v14 =	vadd.f32 v22, v14;
	v22 =	vld.idx.msk [tilespmem:v30+s3+$0x0], $0xffff;
	v12 =	vadd.f32 v20, v12  }
0x40: {  	s28 =	sadd.s32 $0xFFFFFFEF, s8;
	v24 =	vadd.s32 s31, v0;
	v26 =	vand.u32 $0xFFF, v37;
	v29 =	vand.u32 $0xFFF, v57;
	v20 =	vld.idx.msk [tilespmem:v32+s3+$0x0], $0xffff  }
0x41: {  	v17 =	vadd.f32 v25, v17;
	v25 =	vld.idx.msk [tilespmem:v35+s3+$0x0], $0xffff;
	v28 =	vadd.s32 s28, v0;
	v12 =	vadd.f32 v21, v12  }
0x42: {  	v19 =	vand.u32 $0xFFF, v59;
	v30 =	vand.u32 $0xFFF, v39;
	v16 =	vld.idx.msk [tilespmem:v16+s3+$0x0], $0xffff;
	v28 =	vand.u32 $0xFFF, v28  }
0x43: {  	v47 =	vld.idx.msk [tilespmem:v23+s3+$0x0], $0xffff;
	v14 =	vadd.f32 v27, v14;
	v13 =	vadd.f32 v18, v13;
	v27 =	vmul.f32 v12, v5  }
0x44: {  	v21 =	vld.idx.msk [tilespmem:v55+s3+$0x0], $0xffff;
	v17 =	vadd.f32 v22, v17;
	v51 =	vmul.f32 v12, v6;
	v41 =	vmul.f32 v12, v7  }
0x45: {  	v26 =	vld.idx.msk [tilespmem:v26+s3+$0x0], $0xffff;
	v45 =	vmul.f32 v12, v9;
	v14 =	vadd.f32 v20, v14;
	v13 =	vadd.f32 v31, v13  }
0x46: {  	v29 =	vld.idx.msk [tilespmem:v29+s3+$0x0], $0xffff;
	v12 =	vmul.f32 v12, v10;
	v27 =	vadd.f32 v27, v11;
	v44 =	vadd.f32 v51, v2  }
0x47: {  	s19 =	simm.s32 $0x3;
	v24 =	vand.u32 $0xFFF, v24;
	v30 =	vld.idx.msk [tilespmem:v30+s3+$0x0], $0xffff;
	v18 =	vadd.f32 v41, v3;
	v54 =	vadd.f32 v45, v4  }
0x48: {  	s17 =	simm.s32 $0x1;
	v23 =	vadd.s32 s19, v1;
	v28 =	vld.idx.msk [tilespmem:v28+s3+$0x0], $0xffff;
	v56 =	vadd.f32 v12, v8;
	v14 =	vadd.f32 v25, v14  }
0x49: {  	v32 =	vadd.s32 s17, v1;
	v25 =	vld.idx.msk [tilespmem:v19+s3+$0x0], $0xffff;
	v17 =	vadd.f32 v21, v17;
	v13 =	vadd.f32 v34, v13  }
0x4a: {  	v31 =	vld.idx.msk [tilespmem:v58+s3+$0x0], $0xffff;
	v27 =	vmax.f32 v27, $0.0e+00;
	v53 =	vmax.f32 v44, $0.0e+00;
	v14 =	vadd.f32 v43, v14  }
0x4b: {  	s22 =	simm.s32 $0x51;
	v15 =	vadd.f32 v15, v17;
	v13 =	vadd.f32 v47, v13;
	v17 =	vld.idx.msk [tilespmem:v38+s3+$0x0], $0xffff;
	[tilespmem:v63+s13+$0x0] =	vst.idx.msk $0xffff, v27  }
0x4c: {  	v22 =	vadd.s32 s22, v1;
	v55 =	vmax.f32 v18, $0.0e+00;
	[tilespmem:v52+s13+$0x0] =	vst.idx.msk $0xffff, v53;
	v12 =	vadd.f32 v16, v14;
	v14 =	vld.idx.msk [tilespmem:v62+s3+$0x0], $0xffff  }
0x4d: {  	s21 =	simm.s32 $0x50;
	s20 =	simm.s32 $0x4;
	v26 =	vadd.f32 v26, v15;
	v13 =	vadd.f32 v29, v13;
	v29 =	vmax.f32 v54, $0.0e+00;
	[tilespmem:v42+s13+$0x0] =	vst.idx.msk $0xffff, v55  }
0x4e: {  	s23 =	simm.s32 $0x52;
	s24 =	simm.s32 $0x53;
	v24 =	vld.idx.msk [tilespmem:v24+s3+$0x0], $0xffff;
	v20 =	vadd.s32 s20, v1;
	v19 =	vadd.s32 s21, v1;
	[tilespmem:v46+s13+$0x0] =	vst.idx.msk $0xffff, v29;
	v25 =	vadd.f32 v25, v12  }
0x4f: {  	s28 =	simm.s32 $0xA1;
	v21 =	vadd.s32 s23, v1;
	v18 =	vadd.s32 s24, v1;
	v26 =	vadd.f32 v31, v26;
	[tilespmem:$0x1FF60] =	vst v5  }
0x50: {  	s25 =	simm.s32 $0x54;
	s26 =	simm.s32 $0xA0;
	v47 =	vadd.s32 s28, v1;
	v27 =	vadd.f32 v30, v13;
	[tilespmem:$0x1FF70] =	vst v6;
	v25 =	vadd.f32 v17, v25  }
0x51: {  	v15 =	vadd.s32 s25, v1;
	v16 =	vadd.s32 s26, v1;
	[tilespmem:$0x1FF80] =	vst v7;
	v26 =	vadd.f32 v28, v26  }
0x52: {  	[tilespmem:$0x1FF90] =	vst v9;
	v27 =	vadd.f32 v14, v27;
	v28 =	vmul.f32 v25, v5;
	v29 =	vmul.f32 v25, v6  }
0x53: {  	[tilespmem:$0x1FFA0] =	vst v2;
	v24 =	vadd.f32 v24, v26;
	v26 =	vmul.f32 v25, v7;
	v31 =	vmul.f32 v25, v9  }
0x54: {  	s29 =	simm.s32 $0xA2;
	v30 =	vmax.f32 v56, $0.0e+00;
	[tilespmem:$0x1FFB0] =	vst v10;
	v25 =	vmul.f32 v25, v10;
	v57 =	vmul.f32 v27, v5  }
0x55: {  	[tilespmem:v40+s13+$0x0] =	vst.idx.msk $0xffff, v30;
	v17 =	vadd.s32 s29, v1;
	v59 =	vmul.f32 v27, v6;
	v60 =	vmul.f32 v27, v7  }
0x56: {  	v61 =	vmul.f32 v27, v9;
	v28 =	vadd.f32 v28, v11;
	v58 =	vadd.f32 v29, v2  }
0x57: {  	v62 =	vmul.f32 v27, v10;
	v38 =	vadd.f32 v26, v3;
	v35 =	vadd.f32 v31, v4  }
0x58: {  	[tilespmem:$0x1FFC0] =	vst v3;
	v63 =	vmul.f32 v24, v5;
	v33 =	vmul.f32 v24, v6;
	v31 =	vadd.f32 v25, v8  }
0x59: {  	s31 =	simm.s32 $0xA4;
	[tilespmem:$0x1FFD0] =	vst v4;
	v37 =	vmul.f32 v24, v7;
	v34 =	vmul.f32 v24, v9;
	v25 =	vmax.f32 v28, $0.0e+00  }
0x5a: {  	v14 =	vadd.s32 s31, v1;
	v29 =	vadd.f32 v57, v11;
	v26 =	vadd.f32 v59, v2;
	[tilespmem:v48+s13+$0x0] =	vst.idx.msk $0xffff, v25  }
0x5b: {  	v24 =	vmul.f32 v24, v10;
	v30 =	vadd.f32 v60, v3;
	v27 =	vadd.f32 v61, v4;
	[tilespmem:$0x1FFE0] =	vst v8  }
0x5c: {  	s18 =	sadd.s32 $0x40, s8;
	s17 =	simm.s32 $0x0;
	v39 =	vmax.f32 v58, $0.0e+00;
	v28 =	vadd.f32 v62, v8;
	v25 =	vadd.f32 v63, v11;
	[tilespmem:$0x1FFF0] =	vst v11  }
.LBB2_2:
0x5d: {  	s2 =	sadd.s32 $0xFFFFFFF7, s18  }
0x5e: {  	s21 =	sadd.s32 $0xFFFFFFF8, s18;
	v40 =	vadd.s32 s2, v0  }
0x5f: {  	s28 =	sadd.s32 $0xFFFFFFF9, s18;
	v4 =	vadd.s32 s21, v0;
	v63 =	vand.u32 $0xFFF, v40  }
0x60: {  	s1 =	sadd.s32 $0xFFFFFFC8, s18;
	v44 =	vadd.s32 s28, v0;
	v40 =	vand.u32 $0xFFF, v4  }
0x61: {  	s29 =	sadd.s32 $0xFFFFFFFA, s18;
	v61 =	vadd.s32 s1, v0;
	v44 =	vand.u32 $0xFFF, v44  }
0x62: {  	[tilespmem:v32+s13+$0x0] =	vst.idx.msk $0xffff, v39;
	v6 =	vld [tilespmem:$0x1FFC0];
	s10 =	sadd.s32 $0xFFFFFFD7, s18;
	v45 =	vadd.s32 s29, v0;
	v39 =	vand.u32 $0xFFF, v61  }
0x63: {  	s30 =	sadd.s32 $0xFFFFFFFB, s18;
	v13 =	vld [tilespmem:$0x1FFF0];
	v38 =	vmax.f32 v38, $0.0e+00;
	v62 =	vadd.s32 s10, v0;
	v45 =	vand.u32 $0xFFF, v45  }
0x64: {  	s11 =	sadd.s32 $0xFFFFFFD8, s18;
	v8 =	vadd.s32 s30, v0;
	[tilespmem:v36+s13+$0x0] =	vst.idx.msk $0xffff, v38;
	v36 =	vand.u32 $0xFFF, v62;
	v38 =	vld.idx.msk [tilespmem:v63+s3+$0x0], $0xffff  }
0x65: {  	[tilespmem:$0x1FF50] =	vst v49;
	v41 =	vadd.s32 s11, v0;
	v49 =	vand.u32 $0xFFF, v8;
	v40 =	vld.idx.msk [tilespmem:v40+s3+$0x0], $0xffff  }
0x66: {  	s22 =	sadd.s32 $0xFFFFFFE7, s18;
	s2 =	sadd.s32 $0xFFFFFFFC, s18;
	v41 =	vand.u32 $0xFFF, v41;
	v44 =	vld.idx.msk [tilespmem:v44+s3+$0x0], $0xffff  }
0x67: {  	s20 =	sadd.s32 $0xFFFFFFE8, s18;
	v42 =	vadd.s32 s22, v0;
	s11 =	sadd.s32 $0xFFFFFFEA, s18;
	v53 =	vor.u32 s2, v0;
	v39 =	vld.idx.msk [tilespmem:v39+s3+$0x0], $0xffff  }
0x68: {  	v43 =	vadd.s32 s20, v0;
	v42 =	vand.u32 $0xFFF, v42;
	v52 =	vadd.s32 s11, v0;
	s11 =	sadd.s32 $0xFFFFFFFD, s18;
	v45 =	vld.idx.msk [tilespmem:v45+s3+$0x0], $0xffff  }
0x69: {  	s19 =	sadd.s32 $0xFFFFFFC9, s18;
	s10 =	sadd.s32 $0xFFFFFFDB, s18;
	v43 =	vand.u32 $0xFFF, v43;
	v54 =	vadd.s32 s11, v0;
	v36 =	vld.idx.msk [tilespmem:v36+s3+$0x0], $0xffff  }
0x6a: {  	s0 =	sadd.s32 $0xFFFFFFC7, s18;
	v46 =	vadd.s32 s19, v0;
	v56 =	vadd.s32 s10, v0;
	s10 =	sadd.s32 $0xFFFFFFFE, s18;
	v54 =	vand.u32 $0xFFF, v54;
	v9 =	vld.idx.msk [tilespmem:v49+s3+$0x0], $0xffff  }
0x6b: {  	v60 =	vadd.s32 s0, v0;
	v46 =	vand.u32 $0xFFF, v46;
	v10 =	vadd.s32 s10, v0;
	v41 =	vld.idx.msk [tilespmem:v41+s3+$0x0], $0xffff  }
0x6c: {  	s23 =	sadd.s32 $0xFFFFFFD9, s18;
	s11 =	sadd.s32 $0xFFFFFFFF, s18;
	v32 =	vadd.f32 v37, v6;
	v37 =	vand.u32 $0xFFF, v60;
	v11 =	vld.idx.msk [tilespmem:v53+s3+$0x0], $0xffff;
	v38 =	vadd.f32 v40, v38  }
0x6d: {  	v7 =	vadd.s32 s23, v0;
	v4 =	vadd.s32 s11, v0;
	v49 =	vand.u32 $0xFFF, v10;
	v42 =	vld.idx.msk [tilespmem:v42+s3+$0x0], $0xffff  }
0x6e: {  	v8 =	vadd.s32 s18, v0;
	v53 =	vand.u32 $0xFFF, v4;
	v43 =	vld.idx.msk [tilespmem:v43+s3+$0x0], $0xffff;
	v38 =	vadd.f32 v44, v38  }
0x6f: {  	[tilespmem:$0x1FF40] =	vst v47;
	s25 =	sadd.s32 $0xFFFFFFE9, s18;
	v47 =	vand.u32 $0xFFF, v7;
	v7 =	vld.idx.msk [tilespmem:v54+s3+$0x0], $0xffff;
	v54 =	vand.u32 $0xFFF, v8  }
0x70: {  	s24 =	sadd.s32 $0xFFFFFFDA, s18;
	s21 =	sadd.s32 $0xFFFFFFCA, s18;
	v48 =	vadd.s32 s25, v0;
	v46 =	vld.idx.msk [tilespmem:v46+s3+$0x0], $0xffff;
	v38 =	vadd.f32 v45, v38  }
0x71: {  	s9 =	sadd.s32 $0xFFFFFFCB, s18;
	v51 =	vadd.s32 s24, v0;
	v50 =	vadd.s32 s21, v0;
	v48 =	vand.u32 $0xFFF, v48;
	v37 =	vld.idx.msk [tilespmem:v37+s3+$0x0], $0xffff  }
0x72: {  	s5 =	sadd.s32 $0xFFFFFFEB, s18;
	s23 =	sadd.s32 $0xFFFFFFCE, s18;
	v55 =	vadd.s32 s9, v0;
	v50 =	vand.u32 $0xFFF, v50;
	v40 =	vld.idx.msk [tilespmem:v49+s3+$0x0], $0xffff;
	v38 =	vadd.f32 v9, v38  }
0x73: {  	v57 =	vadd.s32 s5, v0;
	s2 =	sadd.s32 $0xFFFFFFD0, s18;
	v51 =	vand.u32 $0xFFF, v51;
	v44 =	vld.idx.msk [tilespmem:v53+s3+$0x0], $0xffff;
	v9 =	vadd.s32 s23, v0  }
0x74: {  	s26 =	sadd.s32 $0xFFFFFFDC, s18;
	v45 =	vld.idx.msk [tilespmem:v54+s3+$0x0], $0xffff;
	v53 =	vand.u32 $0xFFF, v9;
	v9 =	vadd.s32 s2, v0;
	v38 =	vadd.f32 v11, v38  }
0x75: {  	v58 =	vor.u32 s26, v0;
	v55 =	vand.u32 $0xFFF, v55;
	v54 =	vand.u32 $0xFFF, v9;
	v9 =	vld [tilespmem:$0x1FF70]  }
0x76: {  	s29 =	sadd.s32 $0xFFFFFFCD, s18;
	s28 =	sadd.s32 $0xFFFFFFDD, s18;
	v35 =	vmax.f32 v35, $0.0e+00;
	v56 =	vand.u32 $0xFFF, v56;
	v38 =	vadd.f32 v7, v38;
	v7 =	vld.idx.msk [tilespmem:v48+s3+$0x0], $0xffff  }
0x77: {  	s30 =	sadd.s32 $0xFFFFFFED, s18;
	s21 =	sadd.s32 $0xFFFFFFEF, s18;
	v57 =	vand.u32 $0xFFF, v57;
	v59 =	vadd.s32 s29, v0;
	v61 =	vadd.s32 s28, v0;
	v48 =	vld.idx.msk [tilespmem:v50+s3+$0x0], $0xffff  }
0x78: {  	s22 =	sadd.s32 $0xFFFFFFEC, s18;
	s20 =	sadd.s32 $0xFFFFFFDE, s18;
	v62 =	vadd.s32 s30, v0;
	v8 =	vadd.s32 s21, v0;
	v38 =	vadd.f32 v40, v38;
	v40 =	vld.idx.msk [tilespmem:v51+s3+$0x0], $0xffff  }
0x79: {  	v60 =	vor.u32 s22, v0;
	v10 =	vadd.s32 s20, v0;
	v51 =	vand.u32 $0xFFF, v8;
	v8 =	vld [tilespmem:$0x1FF60]  }
0x7a: {  	s31 =	sadd.s32 $0xFFFFFFCC, s18;
	s19 =	sadd.s32 $0xFFFFFFE0, s18;
	v49 =	vand.u32 $0xFFF, v59;
	v59 =	vand.u32 $0xFFF, v10;
	v38 =	vadd.f32 v44, v38;
	v44 =	vld.idx.msk [tilespmem:v55+s3+$0x0], $0xffff  }
0x7b: {  	s1 =	sadd.s32 $0xFFFFFFCF, s18;
	v10 =	vadd.s32 s19, v0;
	v37 =	vadd.f32 v39, v37;
	v39 =	vor.u32 s31, v0;
	v55 =	vld.idx.msk [tilespmem:v56+s3+$0x0], $0xffff  }
0x7c: {  	v4 =	vadd.s32 s1, v0;
	v36 =	vadd.f32 v41, v36;
	v56 =	vand.u32 $0xFFF, v10;
	v10 =	vld [tilespmem:$0x1FF80]  }
0x7d: {  	s25 =	sadd.s32 $0xFFFFFFEE, s18;
	v47 =	vld.idx.msk [tilespmem:v47+s3+$0x0], $0xffff;
	v41 =	vand.u32 $0xFFF, v61;
	v61 =	vand.u32 $0xFFF, v62;
	v38 =	vadd.f32 v45, v38  }
0x7e: {  	v5 =	vld [tilespmem:$0x1FFA0];
	s16 =	sadd.s32 $0x140, s16;
	s0 =	sadd.s32 $0xFFFFFFF0, s18;
	v42 =	vadd.f32 v43, v42;
	v37 =	vadd.f32 v46, v37;
	v11 =	vadd.s32 s25, v0  }
0x7f: {  	v12 =	vld [tilespmem:$0x1FFB0];
	s26 =	sadd.s32 $0xFFFFFFFC, s16;
	v62 =	vand.u32 $0xFFF, v11;
	v11 =	vadd.s32 s0, v0;
	v45 =	vmul.f32 v38, v8  }
0x80: {  	v39 =	vld.idx.msk [tilespmem:v39+s3+$0x0], $0xffff;
	v50 =	vand.u32 $0xFFF, v4;
	[tilespmem:v23+s13+$0x0] =	vst.idx.msk $0xffff, v35;
	v37 =	vadd.f32 v48, v37;
	v48 =	vadd.s32 s26, v1  }
0x81: {  	v43 =	vld.idx.msk [tilespmem:v57+s3+$0x0], $0xffff;
	v4 =	vmul.f32 v38, v9;
	v35 =	vadd.f32 v45, v13;
	v45 =	vmul.f32 v38, v10  }
0x82: {  	s24 =	sadd.s32 $0xFFFFFFDF, s18;
	v36 =	vadd.f32 v47, v36;
	v47 =	vand.u32 $0xFFF, v11;
	v11 =	vld [tilespmem:$0x1FF90]  }
0x83: {  	v63 =	vadd.s32 s24, v0;
	v57 =	vld.idx.msk [tilespmem:v58+s3+$0x0], $0xffff;
	v58 =	vadd.f32 v4, v5;
	v45 =	vadd.f32 v45, v6  }
0x84: {  	s28 =	sadd.s32 $0xFFFFFFFD, s16;
	v46 =	vand.u32 $0xFFF, v63;
	v42 =	vadd.f32 v7, v42;
	v7 =	vld [tilespmem:$0x1FFD0];
	v35 =	vmax.f32 v35, $0.0e+00  }
0x85: {  	s29 =	sadd.s32 $0xFFFFFFFE, s16;
	v63 =	vadd.s32 s28, v1;
	[tilespmem:v48+s13+$0x0] =	vst.idx.msk $0xffff, v35;
	v48 =	vmax.f32 v58, $0.0e+00;
	v58 =	vmax.f32 v45, $0.0e+00;
	v45 =	vld [tilespmem:$0x1FFE0]  }
0x86: {  	v2 =	vadd.s32 s16, v1;
	s30 =	sadd.s32 $0xFFFFFFFF, s16;
	v52 =	vand.u32 $0xFFF, v52;
	v23 =	vld.idx.msk [tilespmem:v60+s3+$0x0], $0xffff;
	v60 =	vadd.s32 s29, v1  }
0x87: {  	v36 =	vadd.f32 v40, v36;
	v3 =	vmul.f32 v38, v11;
	v4 =	vadd.s32 s30, v1  }
0x88: {  	v31 =	vmax.f32 v31, $0.0e+00;
	v49 =	vld.idx.msk [tilespmem:v49+s3+$0x0], $0xffff;
	v37 =	vadd.f32 v44, v37;
	v38 =	vmul.f32 v38, v12  }
0x89: {  	v44 =	vadd.f32 v55, v36;
	v55 =	vld.idx.msk [tilespmem:v53+s3+$0x0], $0xffff;
	[tilespmem:v20+s13+$0x0] =	vst.idx.msk $0xffff, v31;
	v3 =	vadd.f32 v3, v7  }
0x8a: {  	[tilespmem:v63+s13+$0x0] =	vst.idx.msk $0xffff, v48;
	v38 =	vadd.f32 v38, v45  }
0x8b: {  	v41 =	vld.idx.msk [tilespmem:v41+s3+$0x0], $0xffff;
	v3 =	vmax.f32 v3, $0.0e+00;
	[tilespmem:v60+s13+$0x0] =	vst.idx.msk $0xffff, v58  }
0x8c: {  	v52 =	vld.idx.msk [tilespmem:v52+s3+$0x0], $0xffff;
	[tilespmem:v4+s13+$0x0] =	vst.idx.msk $0xffff, v3;
	v3 =	vmax.f32 v38, $0.0e+00  }
0x8d: {  	v29 =	vmax.f32 v29, $0.0e+00;
	[tilespmem:v2+s13+$0x0] =	vst.idx.msk $0xffff, v3;
	v2 =	vadd.f32 v24, v45;
	v24 =	vld.idx.msk [tilespmem:v59+s3+$0x0], $0xffff  }
0x8e: {  	v20 =	vmax.f32 v26, $0.0e+00;
	v3 =	vadd.f32 v57, v44;
	[tilespmem:v19+s13+$0x0] =	vst.idx.msk $0xffff, v29  }
0x8f: {  	v26 =	vmax.f32 v30, $0.0e+00;
	v19 =	vmax.f32 v27, $0.0e+00;
	v27 =	vmax.f32 v28, $0.0e+00;
	v28 =	vld.idx.msk [tilespmem:v46+s3+$0x0], $0xffff;
	[tilespmem:v22+s13+$0x0] =	vst.idx.msk $0xffff, v20  }
0x90: {  	v3 =	vadd.f32 v41, v3;
	[tilespmem:v21+s13+$0x0] =	vst.idx.msk $0xffff, v26  }
0x91: {  	v63 =	vld.idx.msk [tilespmem:v61+s3+$0x0], $0xffff;
	[tilespmem:v18+s13+$0x0] =	vst.idx.msk $0xffff, v19  }
0x92: {  	v52 =	vadd.f32 v52, v42;
	v3 =	vadd.f32 v24, v3;
	v24 =	vld.idx.msk [tilespmem:v56+s3+$0x0], $0xffff  }
0x93: {  	[tilespmem:v15+s13+$0x0] =	vst.idx.msk $0xffff, v27;
	v15 =	vld [tilespmem:$0x1FF40]  }
0x94: {  	v48 =	vadd.f32 v43, v52  }
0x95: {  	v52 =	vadd.f32 v39, v37;
	v57 =	vld.idx.msk [tilespmem:v62+s3+$0x0], $0xffff  }
0x96: {  	v23 =	vadd.f32 v23, v48  }
0x97: {  	v30 =	vld.idx.msk [tilespmem:v50+s3+$0x0], $0xffff;
	v4 =	vadd.f32 v49, v52  }
0x98: {  	v33 =	vadd.f32 v33, v5;
	v31 =	vld.idx.msk [tilespmem:v51+s3+$0x0], $0xffff;
	v29 =	vadd.f32 v63, v23  }
0x99: {  	v34 =	vadd.f32 v34, v7;
	v4 =	vadd.f32 v55, v4;
	v59 =	vld.idx.msk [tilespmem:v54+s3+$0x0], $0xffff;
	v22 =	vmax.f32 v25, $0.0e+00  }
0x9a: {  	v25 =	vmax.f32 v33, $0.0e+00;
	v27 =	vadd.f32 v57, v29;
	v29 =	vld.idx.msk [tilespmem:v47+s3+$0x0], $0xffff;
	[tilespmem:v16+s13+$0x0] =	vst.idx.msk $0xffff, v22  }
0x9b: {  	s21 =	sadd.s32 $0xFFFFFF0E, s16;
	v26 =	vmax.f32 v32, $0.0e+00;
	[tilespmem:v15+s13+$0x0] =	vst.idx.msk $0xffff, v25  }
0x9c: {  	s10 =	sadd.s32 $0xFFFFFFAF, s16;
	s22 =	sadd.s32 $0xFFFFFF0F, s16;
	s19 =	sadd.s32 $0xFFFFFF0C, s16;
	v36 =	vadd.s32 s21, v1;
	v58 =	vmax.f32 v34, $0.0e+00;
	v4 =	vadd.f32 v30, v4;
	[tilespmem:v17+s13+$0x0] =	vst.idx.msk $0xffff, v26;
	v17 =	vld [tilespmem:$0x1FF50]  }
0x9d: {  	s23 =	sadd.s32 $0xFFFFFF10, s16;
	v60 =	vadd.s32 s19, v1;
	v49 =	vadd.s32 s10, v1;
	v23 =	vadd.s32 s22, v1  }
0x9e: {  	s20 =	sadd.s32 $0xFFFFFF0D, s16;
	s26 =	sadd.s32 $0xFFFFFF5E, s16;
	v20 =	vadd.s32 s23, v1;
	v2 =	vmax.f32 v2, $0.0e+00;
	v4 =	vadd.f32 v59, v4  }
0x9f: {  	s24 =	sadd.s32 $0xFFFFFF5C, s16;
	s31 =	sadd.s32 $0xFFFFFF5F, s16;
	v32 =	vadd.s32 s20, v1;
	v21 =	vadd.s32 s26, v1;
	v25 =	vadd.f32 v31, v27  }
0xa0: {  	s25 =	sadd.s32 $0xFFFFFF5D, s16;
	v19 =	vadd.s32 s24, v1;
	v18 =	vadd.s32 s31, v1;
	v27 =	vmul.f32 v4, v11  }
0xa1: {  	s2 =	sadd.s32 $0xFFFFFFAC, s16;
	v22 =	vadd.s32 s25, v1;
	v26 =	vmul.f32 v4, v10;
	v25 =	vadd.f32 v29, v25  }
0xa2: {  	v16 =	vadd.s32 s2, v1;
	v3 =	vadd.f32 v28, v3;
	v35 =	vadd.f32 v27, v7  }
0xa3: {  	s5 =	sadd.s32 $0xFFFFFFAD, s16;
	v38 =	vadd.f32 v26, v6;
	v63 =	vmul.f32 v25, v8;
	v33 =	vmul.f32 v25, v9  }
0xa4: {  	s1 =	sadd.s32 $0xFFFFFF60, s16;
	v47 =	vadd.s32 s5, v1;
	v37 =	vmul.f32 v25, v10;
	v34 =	vmul.f32 v25, v11;
	[tilespmem:v17+s13+$0x0] =	vst.idx.msk $0xffff, v58  }
0xa5: {  	s9 =	sadd.s32 $0xFFFFFFAE, s16;
	s11 =	sadd.s32 $0xFFFFFFB0, s16;
	v15 =	vadd.s32 s1, v1;
	[tilespmem:v14+s13+$0x0] =	vst.idx.msk $0xffff, v2;
	v2 =	vadd.f32 v24, v3;
	v3 =	vmul.f32 v4, v8  }
0xa6: {  	s17 =	sadd.s32 $0x4, s17;
	v17 =	vadd.s32 s9, v1;
	v14 =	vadd.s32 s11, v1;
	v24 =	vmul.f32 v4, v9  }
0xa7: {  	p0 =	slt.u32 s17, $0x7C;
	v4 =	vmul.f32 v4, v12;
	v3 =	vadd.f32 v3, v13;
	v28 =	vmul.f32 v2, v8  }
.Ltmp0:
0xa8: {  	v61 =	vadd.f32 v24, v5;
	v24 =	vmul.f32 v2, v9;
	v30 =	vmul.f32 v2, v10;
	(pc) =	sbr.rel @p0 .LBB2_2-.Ltmp0, $4  }
0xa9: {  	v62 =	vmul.f32 v2, v11;
	v2 =	vmul.f32 v2, v12;
	v31 =	vadd.f32 v4, v45  }
0xaa: {  	v29 =	vadd.f32 v28, v13;
	v26 =	vadd.f32 v24, v5;
	v24 =	vmul.f32 v25, v12  }
0xab: {  	v3 =	vmax.f32 v3, $0.0e+00;
	v30 =	vadd.f32 v30, v6;
	v27 =	vadd.f32 v62, v7  }
0xac: {  	s18 =	sadd.s32 $0x40, s18;
	v39 =	vmax.f32 v61, $0.0e+00;
	v28 =	vadd.f32 v2, v45;
	v25 =	vadd.f32 v63, v13;
	[tilespmem:v60+s13+$0x0] =	vst.idx.msk $0xffff, v3  }
0xad: {  	_ =	sdelay $0x3  }
0xae: {  	[tilespmem:v32+s13+$0x0] =	vst.idx.msk $0xffff, v39;
	v2 =	vmax.f32 v38, $0.0e+00  }
0xaf: {  	v3 =	vmax.f32 v29, $0.0e+00;
	[tilespmem:v36+s13+$0x0] =	vst.idx.msk $0xffff, v2  }
0xb0: {  	v2 =	vmax.f32 v35, $0.0e+00;
	[tilespmem:v19+s13+$0x0] =	vst.idx.msk $0xffff, v3  }
0xb1: {  	[tilespmem:v23+s13+$0x0] =	vst.idx.msk $0xffff, v2;
	v2 =	vmax.f32 v31, $0.0e+00  }
0xb2: {  	[tilespmem:v20+s13+$0x0] =	vst.idx.msk $0xffff, v2;
	v2 =	vmax.f32 v26, $0.0e+00  }
0xb3: {  	v3 =	vmax.f32 v30, $0.0e+00;
	[tilespmem:v22+s13+$0x0] =	vst.idx.msk $0xffff, v2  }
0xb4: {  	v2 =	vmax.f32 v27, $0.0e+00;
	[tilespmem:v21+s13+$0x0] =	vst.idx.msk $0xffff, v3  }
0xb5: {  	v4 =	vmax.f32 v28, $0.0e+00;
	v3 =	vld [tilespmem:$0x1FFA0];
	[tilespmem:v18+s13+$0x0] =	vst.idx.msk $0xffff, v2  }
0xb6: {  	v5 =	vmax.f32 v25, $0.0e+00;
	v2 =	vld [tilespmem:$0x1FFC0];
	[tilespmem:v15+s13+$0x0] =	vst.idx.msk $0xffff, v4  }
0xb7: {  	v4 =	vld [tilespmem:$0x1FFD0];
	[tilespmem:v16+s13+$0x0] =	vst.idx.msk $0xffff, v5  }
0xb8: {  	v5 =	vld [tilespmem:$0x1FFE0];
	_ =	sdelay $0x1  }
0xb9: {  	v3 =	vadd.f32 v33, v3  }
0xba: {  	v2 =	vadd.f32 v37, v2  }
0xbb: {  	v4 =	vadd.f32 v34, v4;
	v3 =	vmax.f32 v3, $0.0e+00  }
0xbc: {  	v5 =	vadd.f32 v24, v5;
	v2 =	vmax.f32 v2, $0.0e+00;
	[tilespmem:v47+s13+$0x0] =	vst.idx.msk $0xffff, v3  }
0xbd: {  	s15 =	sadd.s32 $0x1, s15;
	v3 =	vmax.f32 v4, $0.0e+00;
	[tilespmem:v17+s13+$0x0] =	vst.idx.msk $0xffff, v2  }
0xbe: {  	p0 =	sne.s32 s15, s7;
	v2 =	vmax.f32 v5, $0.0e+00;
	[tilespmem:v49+s13+$0x0] =	vst.idx.msk $0xffff, v3  }
.Ltmp1:
0xbf: {  	s1 =	simm.s32 $0x80;
	s2 =	simm.s32 $0x400;
	[tilespmem:v14+s13+$0x0] =	vst.idx.msk $0xffff, v2;
	(pc) =	sbr.rel @p0 .LBB2_1-.Ltmp1, $4  }
0xc0: {  	[hbm4b:s6+s1] =	stream.strided.scatter [tilespmem:s13], [sflag:$0x3], $0x2800, s2, s1, $0x38;
	[tilespmem:$0x4000] =	vst v63  }
0xc1: {  	_ =	swait.ge [sflag:s14], $0x2800  }
0xc2: {  	[sflag:s14] =	ssyncset.done $0x0  }
0xc3: {  	[sflag:s14] =	ssyncadd.s32 $0xFFFFD800  }
0xc4: {  	_ =	sfence.sel $0x180000  }
0xc5: {  	[bflag:$0x0] =	sbarrier.arrive $0xFFFF  }
0xc6: {  	_ =	strace $0x90000047  }
0xc7: {  	s0 =	stileid.u32;
	[bflag:$0x2] =	sbarrier.arrive $0xFFFF  }
0xc8: {  	p0 =	sne.s32 s0, $0x0;
	s0 =	rddreg [dreg:$0x3]  }
0xc9: {  	s0 =	sadd.s32 @!p0 $0x100000, s0  }
0xca: {  	[sflag:s0] =	ssyncadd.tile.s32 @!p0 $0x1;
	_ =	shalt  }
.Lfunc_end2:
_tile_overlayer_lowered:
.L_overlay_start_2:
0xcb: {  	(tag) =	ssettag $0x2  }
0xcc: {  	s0 =	rddreg [dreg:$0x0];
	s2 =	stileid.u32  }
0xcd: {  	s1 =	rddreg [dreg:$0x1];
	p0 =	sne.s32 s2, $0x0  }
0xce: {  	s3 =	rddreg [dreg:$0x2];
	[bflag:$0x3] =	sbarrier.arrive $0xFFFF;
	s2 =	simm.s32 @!p0 $0x1C03  }
0xcf: {  	[timem:s3], [sflag:s2] =	dma.local @!p0 [hbm:s0], s1  }
0xd0: {  	s0 =	simm.s32 @!p0 $0x3  }
0xd1: {  	_ =	swait.ge @!p0 [sflag:s0], s1  }
0xd2: {  	s1 =	ssub.s32 @!p0 $0x0, s1;
	[sflag:s0] =	ssyncset.done @!p0 $0x0  }
0xd3: {  	[sflag:s0] =	ssyncadd.s32 @!p0 s1  }
0xd4: {  	[bflag:$0x3] =	sbarrier.arrive $0xFFFF  }
0xd5: {  	_ =	shalt  }

</sc_bundles>
